<compile_context>
chip_gen: v7x
topology: tpu7x:2x2x1
jax: 0.10.2.dev20260603
libtpu: 0.0.44.dev20260713+nightly
codegen_flags: <defaults>
</compile_context>

<pallas_src>
import functools

import jax
import jax.numpy as jnp
from jax import lax
from jax.experimental import pallas as pl
from jax.experimental.pallas import tpu as pltpu
from jax.experimental.pallas import tpu_sc as plsc

_N = 320000
_D = 128
_E = 256
_NS = 16
_ROWS_W = _N // _NS
_CH = 80
_NCH = _ROWS_W // _CH

_HB = 2048
_NHB = _N // _HB
_NPAD = 157 * _HB

_mesh = plsc.VectorSubcoreMesh(core_axis_name="c", subcore_axis_name="s",
                               num_cores=1)


@functools.partial(
    pl.kernel,
    out_type=jax.ShapeDtypeStruct((3, _E, _D), jnp.float32),
    mesh=_mesh,
    scratch_types=[
        pltpu.VMEM((2, _CH, _D), jnp.float32),
        pltpu.VMEM((2, _CH), jnp.int32),
        pltpu.VMEM_SHARED((_E, _D), jnp.float32),
        pltpu.VMEM_SHARED((_E, _D), jnp.float32),
        pltpu.VMEM_SHARED((_E, _D), jnp.float32),
        pltpu.SemaphoreType.DMA,
        pltpu.SemaphoreType.DMA,
    ],
)
def _segsum_sc(x_u, x_v, x_y, b_u, b_v, b_y, z_pl,
               sums_out,
               dbuf, ibuf, acc_u, acc_v, acc_y, sem0, sem1):
    sid = lax.axis_index("s")
    accs = (acc_u, acc_v, acc_y)

    row0 = pl.multiple_of(sid * 16, 16)
    for p in range(3):
        pltpu.sync_copy(z_pl.at[pl.ds(row0, 16)], accs[p].at[pl.ds(row0, 16)])
    plsc.subcore_barrier()

    base = sid * _ROWS_W
    for p, (x, b) in enumerate(((x_u, b_u), (x_v, b_v), (x_y, b_y))):
        acc = accs[p]

        pltpu.async_copy(x.at[pl.ds(base, _CH)], dbuf.at[0], sem0)
        pltpu.async_copy(b.at[pl.ds(base, _CH)], ibuf.at[0], sem0)

        def body(k, carry, x=x, b=b, acc=acc):
            i0 = 2 * k
            off0 = pl.multiple_of(base + i0 * _CH, 8)
            off1 = pl.multiple_of(base + (i0 + 1) * _CH, 8)
            pltpu.make_async_copy(x.at[pl.ds(off0, _CH)], dbuf.at[0], sem0).wait()
            pltpu.make_async_copy(b.at[pl.ds(off0, _CH)], ibuf.at[0], sem0).wait()
            pltpu.async_copy(x.at[pl.ds(off1, _CH)], dbuf.at[1], sem1)
            pltpu.async_copy(b.at[pl.ds(off1, _CH)], ibuf.at[1], sem1)
            pltpu.sync_copy(dbuf.at[0], acc.at[ibuf.at[0]], add=True)
            pltpu.make_async_copy(x.at[pl.ds(off1, _CH)], dbuf.at[1], sem1).wait()
            pltpu.make_async_copy(b.at[pl.ds(off1, _CH)], ibuf.at[1], sem1).wait()

            @pl.when(i0 + 2 < _NCH)
            def _():
                off2 = pl.multiple_of(base + (i0 + 2) * _CH, 8)
                pltpu.async_copy(x.at[pl.ds(off2, _CH)], dbuf.at[0], sem0)
                pltpu.async_copy(b.at[pl.ds(off2, _CH)], ibuf.at[0], sem0)

            pltpu.sync_copy(dbuf.at[1], acc.at[ibuf.at[1]], add=True)
            return carry

        lax.fori_loop(0, _NCH // 2, body, 0)

    plsc.subcore_barrier()
    for p in range(3):
        pltpu.sync_copy(accs[p].at[pl.ds(row0, 16)],
                        sums_out.at[p, pl.ds(row0, 16)])


def _hist_tc(b_ref, o_ref):
    p = pl.program_id(0)
    i = pl.program_id(1)

    @pl.when(i == 0)
    def _():
        o_ref[...] = jnp.zeros_like(o_ref)

    ids = b_ref[0]
    e = lax.broadcasted_iota(jnp.int32, (1, _E), 1)
    eq = (ids == e).astype(jnp.float32)
    o_ref[0] += jnp.sum(eq, axis=0, keepdims=True)


def _mlp_tc(s_ref, c_ref, w1_ref, b1_ref, w2_ref, b2_ref, w3_ref, b3_ref, o_ref):
    c = jnp.maximum(c_ref[...], 1.0)
    m = s_ref[...] / c
    h = (jnp.dot(m[0:_E], w1_ref[0:_D], preferred_element_type=jnp.float32)
         + jnp.dot(m[_E:2 * _E], w1_ref[_D:2 * _D], preferred_element_type=jnp.float32)
         + jnp.dot(m[2 * _E:3 * _E], w1_ref[2 * _D:3 * _D], preferred_element_type=jnp.float32))
    h = jax.nn.relu(h + b1_ref[0])
    h = jax.nn.relu(jnp.dot(h, w2_ref[...], preferred_element_type=jnp.float32) + b2_ref[0])
    o_ref[...] = jnp.dot(h, w3_ref[...], preferred_element_type=jnp.float32) + b3_ref[0]


def kernel(x_u, x_v, x_y, batch_u, batch_v, batch_y, W1, b1, W2, b2, W3, b3):
    z_pl = jnp.zeros((_E, _D), jnp.float32)
    sums = _segsum_sc(x_u, x_v, x_y, batch_u, batch_v, batch_y, z_pl)

    ids3 = jnp.stack([batch_u, batch_v, batch_y])
    ids3 = jnp.pad(ids3, ((0, 0), (0, _NPAD - _N)), constant_values=-1)
    ids3 = ids3.reshape(3, _NPAD, 1)
    cnts = pl.pallas_call(
        _hist_tc,
        grid=(3, _NPAD // _HB),
        in_specs=[pl.BlockSpec((1, _HB, 1), lambda p, i: (p, i, 0))],
        out_specs=pl.BlockSpec((1, 1, _E), lambda p, i: (p, 0, 0)),
        out_shape=jax.ShapeDtypeStruct((3, 1, _E), jnp.float32),
    )(ids3)

    s2 = sums.reshape(3 * _E, _D)
    c2 = cnts.reshape(3 * _E, 1)
    W3p = jnp.pad(W3, ((0, 0), (0, 128 - W3.shape[1])))
    b3p = jnp.pad(b3, (0, 128 - b3.shape[0])).reshape(1, 128)
    out = pl.pallas_call(
        _mlp_tc,
        out_shape=jax.ShapeDtypeStruct((_E, 128), jnp.float32),
    )(s2, c2, W1, b1.reshape(1, _D), W2, b2.reshape(1, 64), W3p, b3p)
    return out[:, :3]

# --- scband reference (transcript-rebuilt; emitter-appended) ---
"""Pipeline reference for scband-vertex-decoder-28278064677153 (READ-ONLY COPY).

The authoritative reference and input builder live on the scoring server;
editing this copy changes nothing except your own understanding.
"""

import jax, jax.numpy as jnp
import numpy as np

N = 320000
D = 128
E = 256
MLP1 = 128
MLP2 = 64
OUT = 3


def setup_inputs(seed: int = 0) -> dict:
    key = jax.random.key(seed)
    ks = jax.random.split(key, 16)
    x_u = jax.random.normal(ks[0], (N, D), dtype=jnp.float32)
    x_v = jax.random.normal(ks[1], (N, D), dtype=jnp.float32)
    x_y = jax.random.normal(ks[2], (N, D), dtype=jnp.float32)
    batch_u = jnp.sort(jax.random.randint(ks[3], (N,), 0, E, dtype=jnp.int32))
    batch_v = jnp.sort(jax.random.randint(ks[4], (N,), 0, E, dtype=jnp.int32))
    batch_y = jnp.sort(jax.random.randint(ks[5], (N,), 0, E, dtype=jnp.int32))
    in_feats = 3 * D  # len(planes) * node_features
    W1 = jax.random.normal(ks[6], (in_feats, MLP1), dtype=jnp.float32) * (1.0 / np.sqrt(in_feats))
    b1 = jnp.zeros((MLP1,), dtype=jnp.float32)
    W2 = jax.random.normal(ks[7], (MLP1, MLP2), dtype=jnp.float32) * (1.0 / np.sqrt(MLP1))
    b2 = jnp.zeros((MLP2,), dtype=jnp.float32)
    W3 = jax.random.normal(ks[8], (MLP2, OUT), dtype=jnp.float32) * (1.0 / np.sqrt(MLP2))
    b3 = jnp.zeros((OUT,), dtype=jnp.float32)
    return {"x_u": x_u, "x_v": x_v, "x_y": x_y,
            "batch_u": batch_u, "batch_v": batch_v, "batch_y": batch_y,
            "W1": W1, "b1": b1, "W2": W2, "b2": b2, "W3": W3, "b3": b3}


def _mean_aggr(x, idx):
    # torch_geometric MeanAggregation: segment mean per event index
    s = jax.ops.segment_sum(x, idx, num_segments=E)
    c = jax.ops.segment_sum(jnp.ones((x.shape[0],), dtype=x.dtype), idx, num_segments=E)
    return s / jnp.maximum(c, 1.0)[:, None]


def reference(x_u, x_v, x_y, batch_u, batch_v, batch_y, W1, b1, W2, b2, W3, b3):
    # per-plane mean aggregation over events, then concat along feature dim
    h = jnp.concatenate([
        _mean_aggr(x_u, batch_u),
        _mean_aggr(x_v, batch_v),
        _mean_aggr(x_y, batch_y),
    ], axis=1)  # [E, 3*D]
    # MLP: Linear->ReLU->Linear->ReLU->Linear (last ReLU deleted)
    h = jax.nn.relu(h @ W1 + b1)
    h = jax.nn.relu(h @ W2 + b2)
    out = h @ W3 + b3  # [E, 3]
    return out

if __name__ == "__main__":
    import jax
    _d = setup_inputs()
    print(jax.jit(kernel)(*tuple(_d.values())))

</pallas_src>

<mosaic_0001>
#map = affine_map<(d0, d1) -> (0, 0)>
#map1 = affine_map<(d0, d1) -> (0)>
#map2 = affine_map<(d0, d1) -> (0, 0, 0)>
module attributes {stable_mosaic.version = 14 : i64} {
  func.func @_segsum_sc(%arg0: i32, %arg1: i32, %arg2: memref<320000x128xf32, #tpu.memory_space<hbm>>, %arg3: memref<320000x128xf32, #tpu.memory_space<hbm>>, %arg4: memref<320000x128xf32, #tpu.memory_space<hbm>>, %arg5: memref<320000xi32, #tpu.memory_space<hbm>>, %arg6: memref<320000xi32, #tpu.memory_space<hbm>>, %arg7: memref<320000xi32, #tpu.memory_space<hbm>>, %arg8: memref<256x128xf32, #tpu.memory_space<hbm>>, %arg9: memref<3x256x128xf32, #tpu.memory_space<hbm>>, %arg10: memref<2x80x128xf32, #tpu.memory_space<vmem>>, %arg11: memref<2x80xi32, #tpu.memory_space<vmem>>, %arg12: memref<256x128xf32, #tpu.memory_space<vmem_shared>>, %arg13: memref<256x128xf32, #tpu.memory_space<vmem_shared>>, %arg14: memref<256x128xf32, #tpu.memory_space<vmem_shared>>, %arg15: memref<!tpu.dma_semaphore, #tpu.memory_space<semaphore_mem>>, %arg16: memref<!tpu.dma_semaphore, #tpu.memory_space<semaphore_mem>>) attributes {dimension_semantics = [#tpu.dimension_semantics<core_parallel>, #tpu.dimension_semantics<subcore_parallel>], iteration_bounds = array<i64: 1, 16>, scalar_prefetch = 0 : i64, scratch_operands = 7 : i64, tpu.core_type = #tpu.core_type<sc_vector_subcore>, window_params = [{transform_indices = #map}, {transform_indices = #map}, {transform_indices = #map}, {transform_indices = #map1}, {transform_indices = #map1}, {transform_indices = #map1}, {transform_indices = #map}, {transform_indices = #map2}]} {
    %mul3A = arith.constant 16 : i32
    %mul3A_0 = arith.muli %arg1, %mul3A : i32
    %multiple_of3A = tpu.assume_multiple %mul3A_0, 16 : i32
    "tpu.region"() ({
      %run_scoped3A_88 = tpu.sem_alloc : memref<!tpu.dma_semaphore, #tpu.memory_space<semaphore_mem>>
      %dma_start3A_89 = arith.constant 0 : i32
      %dma_start3A_90 = tpu.memref_slice %arg12[%multiple_of3A, %dma_start3A_89] : memref<256x128xf32, #tpu.memory_space<vmem_shared>> -> memref<16x128xf32, #tpu.memory_space<vmem_shared>>
      %dma_start3A_91 = arith.constant 0 : i32
      %dma_start3A_92 = tpu.memref_slice %arg8[%multiple_of3A, %dma_start3A_91] : memref<256x128xf32, #tpu.memory_space<hbm>> -> memref<16x128xf32, #tpu.memory_space<hbm>>
      tpu.enqueue_dma source(%dma_start3A_92 : memref<16x128xf32, #tpu.memory_space<hbm>>) target(%dma_start3A_90 : memref<16x128xf32, #tpu.memory_space<vmem_shared>>) target_semaphore(%run_scoped3A_88 : memref<!tpu.dma_semaphore, #tpu.memory_space<semaphore_mem>>)
      %dma_wait3A = arith.constant 0 : i32
      %dma_wait3A_93 = tpu.memref_slice %arg12[%multiple_of3A, %dma_wait3A] : memref<256x128xf32, #tpu.memory_space<vmem_shared>> -> memref<16x128xf32, #tpu.memory_space<vmem_shared>>
      %dma_wait3A_94 = arith.constant 0 : i32
      %dma_wait3A_95 = tpu.memref_slice %arg8[%multiple_of3A, %dma_wait3A_94] : memref<256x128xf32, #tpu.memory_space<hbm>> -> memref<16x128xf32, #tpu.memory_space<hbm>>
      tpu.wait_dma2 semaphore(%run_scoped3A_88 : memref<!tpu.dma_semaphore, #tpu.memory_space<semaphore_mem>>) src(%dma_wait3A_95 : memref<16x128xf32, #tpu.memory_space<hbm>>) dst(%dma_wait3A_93 : memref<16x128xf32, #tpu.memory_space<vmem_shared>>)
      tpu.yield
    }) : () -> ()
    "tpu.region"() ({
      %run_scoped3A_88 = tpu.sem_alloc : memref<!tpu.dma_semaphore, #tpu.memory_space<semaphore_mem>>
      %dma_start3A_89 = arith.constant 0 : i32
      %dma_start3A_90 = tpu.memref_slice %arg13[%multiple_of3A, %dma_start3A_89] : memref<256x128xf32, #tpu.memory_space<vmem_shared>> -> memref<16x128xf32, #tpu.memory_space<vmem_shared>>
      %dma_start3A_91 = arith.constant 0 : i32
      %dma_start3A_92 = tpu.memref_slice %arg8[%multiple_of3A, %dma_start3A_91] : memref<256x128xf32, #tpu.memory_space<hbm>> -> memref<16x128xf32, #tpu.memory_space<hbm>>
      tpu.enqueue_dma source(%dma_start3A_92 : memref<16x128xf32, #tpu.memory_space<hbm>>) target(%dma_start3A_90 : memref<16x128xf32, #tpu.memory_space<vmem_shared>>) target_semaphore(%run_scoped3A_88 : memref<!tpu.dma_semaphore, #tpu.memory_space<semaphore_mem>>)
      %dma_wait3A = arith.constant 0 : i32
      %dma_wait3A_93 = tpu.memref_slice %arg13[%multiple_of3A, %dma_wait3A] : memref<256x128xf32, #tpu.memory_space<vmem_shared>> -> memref<16x128xf32, #tpu.memory_space<vmem_shared>>
      %dma_wait3A_94 = arith.constant 0 : i32
      %dma_wait3A_95 = tpu.memref_slice %arg8[%multiple_of3A, %dma_wait3A_94] : memref<256x128xf32, #tpu.memory_space<hbm>> -> memref<16x128xf32, #tpu.memory_space<hbm>>
      tpu.wait_dma2 semaphore(%run_scoped3A_88 : memref<!tpu.dma_semaphore, #tpu.memory_space<semaphore_mem>>) src(%dma_wait3A_95 : memref<16x128xf32, #tpu.memory_space<hbm>>) dst(%dma_wait3A_93 : memref<16x128xf32, #tpu.memory_space<vmem_shared>>)
      tpu.yield
    }) : () -> ()
    "tpu.region"() ({
      %run_scoped3A_88 = tpu.sem_alloc : memref<!tpu.dma_semaphore, #tpu.memory_space<semaphore_mem>>
      %dma_start3A_89 = arith.constant 0 : i32
      %dma_start3A_90 = tpu.memref_slice %arg14[%multiple_of3A, %dma_start3A_89] : memref<256x128xf32, #tpu.memory_space<vmem_shared>> -> memref<16x128xf32, #tpu.memory_space<vmem_shared>>
      %dma_start3A_91 = arith.constant 0 : i32
      %dma_start3A_92 = tpu.memref_slice %arg8[%multiple_of3A, %dma_start3A_91] : memref<256x128xf32, #tpu.memory_space<hbm>> -> memref<16x128xf32, #tpu.memory_space<hbm>>
      tpu.enqueue_dma source(%dma_start3A_92 : memref<16x128xf32, #tpu.memory_space<hbm>>) target(%dma_start3A_90 : memref<16x128xf32, #tpu.memory_space<vmem_shared>>) target_semaphore(%run_scoped3A_88 : memref<!tpu.dma_semaphore, #tpu.memory_space<semaphore_mem>>)
      %dma_wait3A = arith.constant 0 : i32
      %dma_wait3A_93 = tpu.memref_slice %arg14[%multiple_of3A, %dma_wait3A] : memref<256x128xf32, #tpu.memory_space<vmem_shared>> -> memref<16x128xf32, #tpu.memory_space<vmem_shared>>
      %dma_wait3A_94 = arith.constant 0 : i32
      %dma_wait3A_95 = tpu.memref_slice %arg8[%multiple_of3A, %dma_wait3A_94] : memref<256x128xf32, #tpu.memory_space<hbm>> -> memref<16x128xf32, #tpu.memory_space<hbm>>
      tpu.wait_dma2 semaphore(%run_scoped3A_88 : memref<!tpu.dma_semaphore, #tpu.memory_space<semaphore_mem>>) src(%dma_wait3A_95 : memref<16x128xf32, #tpu.memory_space<hbm>>) dst(%dma_wait3A_93 : memref<16x128xf32, #tpu.memory_space<vmem_shared>>)
      tpu.yield
    }) : () -> ()
    %barrier3A = arith.constant 0 : index
    tpu.barrier barrier_id(%barrier3A)
    %mul3A_1 = arith.constant 20000 : i32
    %mul3A_2 = arith.muli %arg1, %mul3A_1 : i32
    %dma_start3A = arith.constant 0 : i32
    %dma_start3A_3 = arith.constant 0 : i32
    %dma_start3A_4 = arith.constant 0 : i32
    %dma_start3A_5 = tpu.memref_slice %arg10[%dma_start3A, %dma_start3A_3, %dma_start3A_4] : memref<2x80x128xf32, #tpu.memory_space<vmem>> -> memref<1x80x128xf32, #tpu.memory_space<vmem>>
    %dma_start3A_6 = tpu.memref_squeeze %dma_start3A_5 : memref<1x80x128xf32, #tpu.memory_space<vmem>> -> memref<80x128xf32, #tpu.memory_space<vmem>>
    %dma_start3A_7 = arith.constant 0 : i32
    %dma_start3A_8 = tpu.memref_slice %arg2[%mul3A_2, %dma_start3A_7] : memref<320000x128xf32, #tpu.memory_space<hbm>> -> memref<80x128xf32, #tpu.memory_space<hbm>>
    %dma_start3A_9 = arith.constant 0 : i32
    %dma_start3A_10 = arith.constant 0 : i32
    %dma_start3A_11 = tpu.memref_slice %arg10[%dma_start3A, %dma_start3A_9, %dma_start3A_10] : memref<2x80x128xf32, #tpu.memory_space<vmem>> -> memref<1x80x128xf32, #tpu.memory_space<vmem>>
    %dma_start3A_12 = tpu.memref_squeeze %dma_start3A_11 : memref<1x80x128xf32, #tpu.memory_space<vmem>> -> memref<80x128xf32, #tpu.memory_space<vmem>>
    %dma_start3A_13 = arith.constant 0 : i32
    %dma_start3A_14 = tpu.memref_slice %arg2[%mul3A_2, %dma_start3A_13] : memref<320000x128xf32, #tpu.memory_space<hbm>> -> memref<80x128xf32, #tpu.memory_space<hbm>>
    tpu.enqueue_dma source(%dma_start3A_14 : memref<80x128xf32, #tpu.memory_space<hbm>>) target(%dma_start3A_12 : memref<80x128xf32, #tpu.memory_space<vmem>>) target_semaphore(%arg15 : memref<!tpu.dma_semaphore, #tpu.memory_space<semaphore_mem>>)
    %dma_start3A_15 = arith.constant 0 : i32
    %dma_start3A_16 = arith.constant 0 : i32
    %dma_start3A_17 = tpu.memref_slice %arg11[%dma_start3A_15, %dma_start3A_16] : memref<2x80xi32, #tpu.memory_space<vmem>> -> memref<1x80xi32, #tpu.memory_space<vmem>>
    %dma_start3A_18 = tpu.memref_squeeze %dma_start3A_17 : memref<1x80xi32, #tpu.memory_space<vmem>> -> memref<80xi32, #tpu.memory_space<vmem>>
    %dma_start3A_19 = tpu.memref_slice %arg5[%mul3A_2] : memref<320000xi32, #tpu.memory_space<hbm>> -> memref<80xi32, #tpu.memory_space<hbm>>
    %dma_start3A_20 = arith.constant 0 : i32
    %dma_start3A_21 = tpu.memref_slice %arg11[%dma_start3A_15, %dma_start3A_20] : memref<2x80xi32, #tpu.memory_space<vmem>> -> memref<1x80xi32, #tpu.memory_space<vmem>>
    %dma_start3A_22 = tpu.memref_squeeze %dma_start3A_21 : memref<1x80xi32, #tpu.memory_space<vmem>> -> memref<80xi32, #tpu.memory_space<vmem>>
    %dma_start3A_23 = tpu.memref_slice %arg5[%mul3A_2] : memref<320000xi32, #tpu.memory_space<hbm>> -> memref<80xi32, #tpu.memory_space<hbm>>
    tpu.enqueue_dma source(%dma_start3A_23 : memref<80xi32, #tpu.memory_space<hbm>>) target(%dma_start3A_22 : memref<80xi32, #tpu.memory_space<vmem>>) target_semaphore(%arg15 : memref<!tpu.dma_semaphore, #tpu.memory_space<semaphore_mem>>)
    %scan3A = arith.constant 0 : i32
    %scan3A_24 = arith.constant 0 : i32
    %scan3A_25 = arith.constant 125 : i32
    %scan3A_26 = arith.addi %scan3A_24, %scan3A_25 : i32
    %scan3A_27 = arith.constant 1 : i32
    scf.for %scan3A_88 = %scan3A_24 to %scan3A_26 step %scan3A_27  : i32 {
      %mul3A_89 = arith.constant 2 : i32
      %mul3A_90 = arith.muli %mul3A_89, %scan3A_88 : i32
      %mul3A_91 = arith.constant 80 : i32
      %mul3A_92 = arith.muli %mul3A_90, %mul3A_91 : i32
      %add3A = arith.addi %mul3A_2, %mul3A_92 : i32
      %multiple_of3A_93 = tpu.assume_multiple %add3A, 8 : i32
      %add3A_94 = arith.constant 1 : i32
      %add3A_95 = arith.addi %mul3A_90, %add3A_94 : i32
      %mul3A_96 = arith.constant 80 : i32
      %mul3A_97 = arith.muli %add3A_95, %mul3A_96 : i32
      %add3A_98 = arith.addi %mul3A_2, %mul3A_97 : i32
      %multiple_of3A_99 = tpu.assume_multiple %add3A_98, 8 : i32
      %dma_wait3A = arith.constant 0 : i32
      %dma_wait3A_100 = arith.constant 0 : i32
      %dma_wait3A_101 = arith.constant 0 : i32
      %dma_wait3A_102 = tpu.memref_slice %arg10[%dma_wait3A, %dma_wait3A_100, %dma_wait3A_101] : memref<2x80x128xf32, #tpu.memory_space<vmem>> -> memref<1x80x128xf32, #tpu.memory_space<vmem>>
      %dma_wait3A_103 = tpu.memref_squeeze %dma_wait3A_102 : memref<1x80x128xf32, #tpu.memory_space<vmem>> -> memref<80x128xf32, #tpu.memory_space<vmem>>
      %dma_wait3A_104 = arith.constant 0 : i32
      %dma_wait3A_105 = tpu.memref_slice %arg2[%multiple_of3A_93, %dma_wait3A_104] : memref<320000x128xf32, #tpu.memory_space<hbm>> -> memref<80x128xf32, #tpu.memory_space<hbm>>
      %dma_wait3A_106 = arith.constant 0 : i32
      %dma_wait3A_107 = arith.constant 0 : i32
      %dma_wait3A_108 = tpu.memref_slice %arg10[%dma_wait3A, %dma_wait3A_106, %dma_wait3A_107] : memref<2x80x128xf32, #tpu.memory_space<vmem>> -> memref<1x80x128xf32, #tpu.memory_space<vmem>>
      %dma_wait3A_109 = tpu.memref_squeeze %dma_wait3A_108 : memref<1x80x128xf32, #tpu.memory_space<vmem>> -> memref<80x128xf32, #tpu.memory_space<vmem>>
      %dma_wait3A_110 = arith.constant 0 : i32
      %dma_wait3A_111 = tpu.memref_slice %arg2[%multiple_of3A_93, %dma_wait3A_110] : memref<320000x128xf32, #tpu.memory_space<hbm>> -> memref<80x128xf32, #tpu.memory_space<hbm>>
      tpu.wait_dma2 semaphore(%arg15 : memref<!tpu.dma_semaphore, #tpu.memory_space<semaphore_mem>>) src(%dma_wait3A_111 : memref<80x128xf32, #tpu.memory_space<hbm>>) dst(%dma_wait3A_109 : memref<80x128xf32, #tpu.memory_space<vmem>>)
      %dma_wait3A_112 = arith.constant 0 : i32
      %dma_wait3A_113 = arith.constant 0 : i32
      %dma_wait3A_114 = tpu.memref_slice %arg11[%dma_wait3A_112, %dma_wait3A_113] : memref<2x80xi32, #tpu.memory_space<vmem>> -> memref<1x80xi32, #tpu.memory_space<vmem>>
      %dma_wait3A_115 = tpu.memref_squeeze %dma_wait3A_114 : memref<1x80xi32, #tpu.memory_space<vmem>> -> memref<80xi32, #tpu.memory_space<vmem>>
      %dma_wait3A_116 = tpu.memref_slice %arg5[%multiple_of3A_93] : memref<320000xi32, #tpu.memory_space<hbm>> -> memref<80xi32, #tpu.memory_space<hbm>>
      %dma_wait3A_117 = arith.constant 0 : i32
      %dma_wait3A_118 = tpu.memref_slice %arg11[%dma_wait3A_112, %dma_wait3A_117] : memref<2x80xi32, #tpu.memory_space<vmem>> -> memref<1x80xi32, #tpu.memory_space<vmem>>
      %dma_wait3A_119 = tpu.memref_squeeze %dma_wait3A_118 : memref<1x80xi32, #tpu.memory_space<vmem>> -> memref<80xi32, #tpu.memory_space<vmem>>
      %dma_wait3A_120 = tpu.memref_slice %arg5[%multiple_of3A_93] : memref<320000xi32, #tpu.memory_space<hbm>> -> memref<80xi32, #tpu.memory_space<hbm>>
      tpu.wait_dma2 semaphore(%arg15 : memref<!tpu.dma_semaphore, #tpu.memory_space<semaphore_mem>>) src(%dma_wait3A_120 : memref<80xi32, #tpu.memory_space<hbm>>) dst(%dma_wait3A_119 : memref<80xi32, #tpu.memory_space<vmem>>)
      %dma_start3A_121 = arith.constant 1 : i32
      %dma_start3A_122 = arith.constant 0 : i32
      %dma_start3A_123 = arith.constant 0 : i32
      %dma_start3A_124 = tpu.memref_slice %arg10[%dma_start3A_121, %dma_start3A_122, %dma_start3A_123] : memref<2x80x128xf32, #tpu.memory_space<vmem>> -> memref<1x80x128xf32, #tpu.memory_space<vmem>>
      %dma_start3A_125 = tpu.memref_squeeze %dma_start3A_124 : memref<1x80x128xf32, #tpu.memory_space<vmem>> -> memref<80x128xf32, #tpu.memory_space<vmem>>
      %dma_start3A_126 = arith.constant 0 : i32
      %dma_start3A_127 = tpu.memref_slice %arg2[%multiple_of3A_99, %dma_start3A_126] : memref<320000x128xf32, #tpu.memory_space<hbm>> -> memref<80x128xf32, #tpu.memory_space<hbm>>
      %dma_start3A_128 = arith.constant 0 : i32
      %dma_start3A_129 = arith.constant 0 : i32
      %dma_start3A_130 = tpu.memref_slice %arg10[%dma_start3A_121, %dma_start3A_128, %dma_start3A_129] : memref<2x80x128xf32, #tpu.memory_space<vmem>> -> memref<1x80x128xf32, #tpu.memory_space<vmem>>
      %dma_start3A_131 = tpu.memref_squeeze %dma_start3A_130 : memref<1x80x128xf32, #tpu.memory_space<vmem>> -> memref<80x128xf32, #tpu.memory_space<vmem>>
      %dma_start3A_132 = arith.constant 0 : i32
      %dma_start3A_133 = tpu.memref_slice %arg2[%multiple_of3A_99, %dma_start3A_132] : memref<320000x128xf32, #tpu.memory_space<hbm>> -> memref<80x128xf32, #tpu.memory_space<hbm>>
      tpu.enqueue_dma source(%dma_start3A_133 : memref<80x128xf32, #tpu.memory_space<hbm>>) target(%dma_start3A_131 : memref<80x128xf32, #tpu.memory_space<vmem>>) target_semaphore(%arg16 : memref<!tpu.dma_semaphore, #tpu.memory_space<semaphore_mem>>)
      %dma_start3A_134 = arith.constant 1 : i32
      %dma_start3A_135 = arith.constant 0 : i32
      %dma_start3A_136 = tpu.memref_slice %arg11[%dma_start3A_134, %dma_start3A_135] : memref<2x80xi32, #tpu.memory_space<vmem>> -> memref<1x80xi32, #tpu.memory_space<vmem>>
      %dma_start3A_137 = tpu.memref_squeeze %dma_start3A_136 : memref<1x80xi32, #tpu.memory_space<vmem>> -> memref<80xi32, #tpu.memory_space<vmem>>
      %dma_start3A_138 = tpu.memref_slice %arg5[%multiple_of3A_99] : memref<320000xi32, #tpu.memory_space<hbm>> -> memref<80xi32, #tpu.memory_space<hbm>>
      %dma_start3A_139 = arith.constant 0 : i32
      %dma_start3A_140 = tpu.memref_slice %arg11[%dma_start3A_134, %dma_start3A_139] : memref<2x80xi32, #tpu.memory_space<vmem>> -> memref<1x80xi32, #tpu.memory_space<vmem>>
      %dma_start3A_141 = tpu.memref_squeeze %dma_start3A_140 : memref<1x80xi32, #tpu.memory_space<vmem>> -> memref<80xi32, #tpu.memory_space<vmem>>
      %dma_start3A_142 = tpu.memref_slice %arg5[%multiple_of3A_99] : memref<320000xi32, #tpu.memory_space<hbm>> -> memref<80xi32, #tpu.memory_space<hbm>>
      tpu.enqueue_dma source(%dma_start3A_142 : memref<80xi32, #tpu.memory_space<hbm>>) target(%dma_start3A_141 : memref<80xi32, #tpu.memory_space<vmem>>) target_semaphore(%arg16 : memref<!tpu.dma_semaphore, #tpu.memory_space<semaphore_mem>>)
      %run_scoped3A_143 = arith.constant 0 : i32
      %run_scoped3A_144 = arith.constant 0 : i32
      "tpu.region"() ({
        %run_scoped3A_173 = tpu.sem_alloc : memref<!tpu.dma_semaphore, #tpu.memory_space<semaphore_mem>>
        %dma_start3A_174 = arith.constant 0 : i32
        %dma_start3A_175 = arith.constant 0 : i32
        %dma_start3A_176 = tpu.memref_slice %arg10[%run_scoped3A_143, %dma_start3A_174, %dma_start3A_175] : memref<2x80x128xf32, #tpu.memory_space<vmem>> -> memref<1x80x128xf32, #tpu.memory_space<vmem>>
        %dma_start3A_177 = tpu.memref_squeeze %dma_start3A_176 : memref<1x80x128xf32, #tpu.memory_space<vmem>> -> memref<80x128xf32, #tpu.memory_space<vmem>>
        %dma_start3A_178 = arith.constant 0 : i32
        %dma_start3A_179 = tpu.memref_slice %arg11[%run_scoped3A_144, %dma_start3A_178] : memref<2x80xi32, #tpu.memory_space<vmem>> -> memref<1x80xi32, #tpu.memory_space<vmem>>
        %dma_start3A_180 = tpu.memref_squeeze %dma_start3A_179 : memref<1x80xi32, #tpu.memory_space<vmem>> -> memref<80xi32, #tpu.memory_space<vmem>>
        %dma_start3A_181 = arith.constant 0 : i32
        %dma_start3A_182 = arith.constant 0 : i32
        %dma_start3A_183 = tpu.memref_slice %arg12[%dma_start3A_181, %dma_start3A_182] : memref<256x128xf32, #tpu.memory_space<vmem_shared>> -> memref<256x128xf32, #tpu.memory_space<vmem_shared>>
        tpu.enqueue_indirect_dma source(%dma_start3A_177 : memref<80x128xf32, #tpu.memory_space<vmem>>) target(%dma_start3A_183 : memref<256x128xf32, #tpu.memory_space<vmem_shared>>) offsets(%dma_start3A_180 : memref<80xi32, #tpu.memory_space<vmem>>) semaphore(%run_scoped3A_173 : memref<!tpu.dma_semaphore, #tpu.memory_space<semaphore_mem>>) {add = true}
        %dma_wait3A_184 = arith.constant 0 : i32
        %dma_wait3A_185 = arith.constant 0 : i32
        %dma_wait3A_186 = tpu.memref_slice %arg10[%run_scoped3A_143, %dma_wait3A_184, %dma_wait3A_185] : memref<2x80x128xf32, #tpu.memory_space<vmem>> -> memref<1x80x128xf32, #tpu.memory_space<vmem>>
        %dma_wait3A_187 = tpu.memref_squeeze %dma_wait3A_186 : memref<1x80x128xf32, #tpu.memory_space<vmem>> -> memref<80x128xf32, #tpu.memory_space<vmem>>
        %dma_wait3A_188 = arith.constant 0 : i32
        %dma_wait3A_189 = tpu.memref_slice %arg11[%run_scoped3A_144, %dma_wait3A_188] : memref<2x80xi32, #tpu.memory_space<vmem>> -> memref<1x80xi32, #tpu.memory_space<vmem>>
        %dma_wait3A_190 = tpu.memref_squeeze %dma_wait3A_189 : memref<1x80xi32, #tpu.memory_space<vmem>> -> memref<80xi32, #tpu.memory_space<vmem>>
        %dma_wait3A_191 = arith.constant 0 : i32
        %dma_wait3A_192 = arith.constant 0 : i32
        %dma_wait3A_193 = tpu.memref_slice %arg12[%dma_wait3A_191, %dma_wait3A_192] : memref<256x128xf32, #tpu.memory_space<vmem_shared>> -> memref<256x128xf32, #tpu.memory_space<vmem_shared>>
        tpu.wait_indirect_dma semaphore(%run_scoped3A_173 : memref<!tpu.dma_semaphore, #tpu.memory_space<semaphore_mem>>) src(%dma_wait3A_187 : memref<80x128xf32, #tpu.memory_space<vmem>>) dst(%dma_wait3A_193 : memref<256x128xf32, #tpu.memory_space<vmem_shared>>)
        tpu.yield
      }) : () -> ()
      %dma_wait3A_145 = arith.constant 1 : i32
      %dma_wait3A_146 = arith.constant 0 : i32
      %dma_wait3A_147 = arith.constant 0 : i32
      %dma_wait3A_148 = tpu.memref_slice %arg10[%dma_wait3A_145, %dma_wait3A_146, %dma_wait3A_147] : memref<2x80x128xf32, #tpu.memory_space<vmem>> -> memref<1x80x128xf32, #tpu.memory_space<vmem>>
      %dma_wait3A_149 = tpu.memref_squeeze %dma_wait3A_148 : memref<1x80x128xf32, #tpu.memory_space<vmem>> -> memref<80x128xf32, #tpu.memory_space<vmem>>
      %dma_wait3A_150 = arith.constant 0 : i32
      %dma_wait3A_151 = tpu.memref_slice %arg2[%multiple_of3A_99, %dma_wait3A_150] : memref<320000x128xf32, #tpu.memory_space<hbm>> -> memref<80x128xf32, #tpu.memory_space<hbm>>
      %dma_wait3A_152 = arith.constant 0 : i32
      %dma_wait3A_153 = arith.constant 0 : i32
      %dma_wait3A_154 = tpu.memref_slice %arg10[%dma_wait3A_145, %dma_wait3A_152, %dma_wait3A_153] : memref<2x80x128xf32, #tpu.memory_space<vmem>> -> memref<1x80x128xf32, #tpu.memory_space<vmem>>
      %dma_wait3A_155 = tpu.memref_squeeze %dma_wait3A_154 : memref<1x80x128xf32, #tpu.memory_space<vmem>> -> memref<80x128xf32, #tpu.memory_space<vmem>>
      %dma_wait3A_156 = arith.constant 0 : i32
      %dma_wait3A_157 = tpu.memref_slice %arg2[%multiple_of3A_99, %dma_wait3A_156] : memref<320000x128xf32, #tpu.memory_space<hbm>> -> memref<80x128xf32, #tpu.memory_space<hbm>>
      tpu.wait_dma2 semaphore(%arg16 : memref<!tpu.dma_semaphore, #tpu.memory_space<semaphore_mem>>) src(%dma_wait3A_157 : memref<80x128xf32, #tpu.memory_space<hbm>>) dst(%dma_wait3A_155 : memref<80x128xf32, #tpu.memory_space<vmem>>)
      %dma_wait3A_158 = arith.constant 1 : i32
      %dma_wait3A_159 = arith.constant 0 : i32
      %dma_wait3A_160 = tpu.memref_slice %arg11[%dma_wait3A_158, %dma_wait3A_159] : memref<2x80xi32, #tpu.memory_space<vmem>> -> memref<1x80xi32, #tpu.memory_space<vmem>>
      %dma_wait3A_161 = tpu.memref_squeeze %dma_wait3A_160 : memref<1x80xi32, #tpu.memory_space<vmem>> -> memref<80xi32, #tpu.memory_space<vmem>>
      %dma_wait3A_162 = tpu.memref_slice %arg5[%multiple_of3A_99] : memref<320000xi32, #tpu.memory_space<hbm>> -> memref<80xi32, #tpu.memory_space<hbm>>
      %dma_wait3A_163 = arith.constant 0 : i32
      %dma_wait3A_164 = tpu.memref_slice %arg11[%dma_wait3A_158, %dma_wait3A_163] : memref<2x80xi32, #tpu.memory_space<vmem>> -> memref<1x80xi32, #tpu.memory_space<vmem>>
      %dma_wait3A_165 = tpu.memref_squeeze %dma_wait3A_164 : memref<1x80xi32, #tpu.memory_space<vmem>> -> memref<80xi32, #tpu.memory_space<vmem>>
      %dma_wait3A_166 = tpu.memref_slice %arg5[%multiple_of3A_99] : memref<320000xi32, #tpu.memory_space<hbm>> -> memref<80xi32, #tpu.memory_space<hbm>>
      tpu.wait_dma2 semaphore(%arg16 : memref<!tpu.dma_semaphore, #tpu.memory_space<semaphore_mem>>) src(%dma_wait3A_166 : memref<80xi32, #tpu.memory_space<hbm>>) dst(%dma_wait3A_165 : memref<80xi32, #tpu.memory_space<vmem>>)
      %add3A_167 = arith.constant 2 : i32
      %add3A_168 = arith.addi %mul3A_90, %add3A_167 : i32
      %lt3A = arith.constant 250 : i32
      %lt3A_169 = arith.cmpi slt, %add3A_168, %lt3A : i32
      %convert_element_type3A = arith.extui %lt3A_169 : i1 to i32
      %cond3A = arith.constant 0 : i32
      %cond3A_170 = arith.cmpi ne, %convert_element_type3A, %cond3A : i32
      scf.if %cond3A_170 {
        %add3A_173 = arith.constant 2 : i32
        %add3A_174 = arith.addi %mul3A_90, %add3A_173 : i32
        %mul3A_175 = arith.constant 80 : i32
        %mul3A_176 = arith.muli %add3A_174, %mul3A_175 : i32
        %add3A_177 = arith.addi %mul3A_2, %mul3A_176 : i32
        %multiple_of3A_178 = tpu.assume_multiple %add3A_177, 8 : i32
        %dma_start3A_179 = arith.constant 0 : i32
        %dma_start3A_180 = arith.constant 0 : i32
        %dma_start3A_181 = arith.constant 0 : i32
        %dma_start3A_182 = tpu.memref_slice %arg10[%dma_start3A_179, %dma_start3A_180, %dma_start3A_181] : memref<2x80x128xf32, #tpu.memory_space<vmem>> -> memref<1x80x128xf32, #tpu.memory_space<vmem>>
        %dma_start3A_183 = tpu.memref_squeeze %dma_start3A_182 : memref<1x80x128xf32, #tpu.memory_space<vmem>> -> memref<80x128xf32, #tpu.memory_space<vmem>>
        %dma_start3A_184 = arith.constant 0 : i32
        %dma_start3A_185 = tpu.memref_slice %arg2[%multiple_of3A_178, %dma_start3A_184] : memref<320000x128xf32, #tpu.memory_space<hbm>> -> memref<80x128xf32, #tpu.memory_space<hbm>>
        %dma_start3A_186 = arith.constant 0 : i32
        %dma_start3A_187 = arith.constant 0 : i32
        %dma_start3A_188 = tpu.memref_slice %arg10[%dma_start3A_179, %dma_start3A_186, %dma_start3A_187] : memref<2x80x128xf32, #tpu.memory_space<vmem>> -> memref<1x80x128xf32, #tpu.memory_space<vmem>>
        %dma_start3A_189 = tpu.memref_squeeze %dma_start3A_188 : memref<1x80x128xf32, #tpu.memory_space<vmem>> -> memref<80x128xf32, #tpu.memory_space<vmem>>
        %dma_start3A_190 = arith.constant 0 : i32
        %dma_start3A_191 = tpu.memref_slice %arg2[%multiple_of3A_178, %dma_start3A_190] : memref<320000x128xf32, #tpu.memory_space<hbm>> -> memref<80x128xf32, #tpu.memory_space<hbm>>
        tpu.enqueue_dma source(%dma_start3A_191 : memref<80x128xf32, #tpu.memory_space<hbm>>) target(%dma_start3A_189 : memref<80x128xf32, #tpu.memory_space<vmem>>) target_semaphore(%arg15 : memref<!tpu.dma_semaphore, #tpu.memory_space<semaphore_mem>>)
        %dma_start3A_192 = arith.constant 0 : i32
        %dma_start3A_193 = arith.constant 0 : i32
        %dma_start3A_194 = tpu.memref_slice %arg11[%dma_start3A_192, %dma_start3A_193] : memref<2x80xi32, #tpu.memory_space<vmem>> -> memref<1x80xi32, #tpu.memory_space<vmem>>
        %dma_start3A_195 = tpu.memref_squeeze %dma_start3A_194 : memref<1x80xi32, #tpu.memory_space<vmem>> -> memref<80xi32, #tpu.memory_space<vmem>>
        %dma_start3A_196 = tpu.memref_slice %arg5[%multiple_of3A_178] : memref<320000xi32, #tpu.memory_space<hbm>> -> memref<80xi32, #tpu.memory_space<hbm>>
        %dma_start3A_197 = arith.constant 0 : i32
        %dma_start3A_198 = tpu.memref_slice %arg11[%dma_start3A_192, %dma_start3A_197] : memref<2x80xi32, #tpu.memory_space<vmem>> -> memref<1x80xi32, #tpu.memory_space<vmem>>
        %dma_start3A_199 = tpu.memref_squeeze %dma_start3A_198 : memref<1x80xi32, #tpu.memory_space<vmem>> -> memref<80xi32, #tpu.memory_space<vmem>>
        %dma_start3A_200 = tpu.memref_slice %arg5[%multiple_of3A_178] : memref<320000xi32, #tpu.memory_space<hbm>> -> memref<80xi32, #tpu.memory_space<hbm>>
        tpu.enqueue_dma source(%dma_start3A_200 : memref<80xi32, #tpu.memory_space<hbm>>) target(%dma_start3A_199 : memref<80xi32, #tpu.memory_space<vmem>>) target_semaphore(%arg15 : memref<!tpu.dma_semaphore, #tpu.memory_space<semaphore_mem>>)
      } else {
      }
      %run_scoped3A_171 = arith.constant 1 : i32
      %run_scoped3A_172 = arith.constant 1 : i32
      "tpu.region"() ({
        %run_scoped3A_173 = tpu.sem_alloc : memref<!tpu.dma_semaphore, #tpu.memory_space<semaphore_mem>>
        %dma_start3A_174 = arith.constant 0 : i32
        %dma_start3A_175 = arith.constant 0 : i32
        %dma_start3A_176 = tpu.memref_slice %arg10[%run_scoped3A_171, %dma_start3A_174, %dma_start3A_175] : memref<2x80x128xf32, #tpu.memory_space<vmem>> -> memref<1x80x128xf32, #tpu.memory_space<vmem>>
        %dma_start3A_177 = tpu.memref_squeeze %dma_start3A_176 : memref<1x80x128xf32, #tpu.memory_space<vmem>> -> memref<80x128xf32, #tpu.memory_space<vmem>>
        %dma_start3A_178 = arith.constant 0 : i32
        %dma_start3A_179 = tpu.memref_slice %arg11[%run_scoped3A_172, %dma_start3A_178] : memref<2x80xi32, #tpu.memory_space<vmem>> -> memref<1x80xi32, #tpu.memory_space<vmem>>
        %dma_start3A_180 = tpu.memref_squeeze %dma_start3A_179 : memref<1x80xi32, #tpu.memory_space<vmem>> -> memref<80xi32, #tpu.memory_space<vmem>>
        %dma_start3A_181 = arith.constant 0 : i32
        %dma_start3A_182 = arith.constant 0 : i32
        %dma_start3A_183 = tpu.memref_slice %arg12[%dma_start3A_181, %dma_start3A_182] : memref<256x128xf32, #tpu.memory_space<vmem_shared>> -> memref<256x128xf32, #tpu.memory_space<vmem_shared>>
        tpu.enqueue_indirect_dma source(%dma_start3A_177 : memref<80x128xf32, #tpu.memory_space<vmem>>) target(%dma_start3A_183 : memref<256x128xf32, #tpu.memory_space<vmem_shared>>) offsets(%dma_start3A_180 : memref<80xi32, #tpu.memory_space<vmem>>) semaphore(%run_scoped3A_173 : memref<!tpu.dma_semaphore, #tpu.memory_space<semaphore_mem>>) {add = true}
        %dma_wait3A_184 = arith.constant 0 : i32
        %dma_wait3A_185 = arith.constant 0 : i32
        %dma_wait3A_186 = tpu.memref_slice %arg10[%run_scoped3A_171, %dma_wait3A_184, %dma_wait3A_185] : memref<2x80x128xf32, #tpu.memory_space<vmem>> -> memref<1x80x128xf32, #tpu.memory_space<vmem>>
        %dma_wait3A_187 = tpu.memref_squeeze %dma_wait3A_186 : memref<1x80x128xf32, #tpu.memory_space<vmem>> -> memref<80x128xf32, #tpu.memory_space<vmem>>
        %dma_wait3A_188 = arith.constant 0 : i32
        %dma_wait3A_189 = tpu.memref_slice %arg11[%run_scoped3A_172, %dma_wait3A_188] : memref<2x80xi32, #tpu.memory_space<vmem>> -> memref<1x80xi32, #tpu.memory_space<vmem>>
        %dma_wait3A_190 = tpu.memref_squeeze %dma_wait3A_189 : memref<1x80xi32, #tpu.memory_space<vmem>> -> memref<80xi32, #tpu.memory_space<vmem>>
        %dma_wait3A_191 = arith.constant 0 : i32
        %dma_wait3A_192 = arith.constant 0 : i32
        %dma_wait3A_193 = tpu.memref_slice %arg12[%dma_wait3A_191, %dma_wait3A_192] : memref<256x128xf32, #tpu.memory_space<vmem_shared>> -> memref<256x128xf32, #tpu.memory_space<vmem_shared>>
        tpu.wait_indirect_dma semaphore(%run_scoped3A_173 : memref<!tpu.dma_semaphore, #tpu.memory_space<semaphore_mem>>) src(%dma_wait3A_187 : memref<80x128xf32, #tpu.memory_space<vmem>>) dst(%dma_wait3A_193 : memref<256x128xf32, #tpu.memory_space<vmem_shared>>)
        tpu.yield
      }) : () -> ()
    }
    %scan3A_28 = arith.constant 125 : i32
    %dma_start3A_29 = arith.constant 0 : i32
    %dma_start3A_30 = arith.constant 0 : i32
    %dma_start3A_31 = arith.constant 0 : i32
    %dma_start3A_32 = tpu.memref_slice %arg10[%dma_start3A_29, %dma_start3A_30, %dma_start3A_31] : memref<2x80x128xf32, #tpu.memory_space<vmem>> -> memref<1x80x128xf32, #tpu.memory_space<vmem>>
    %dma_start3A_33 = tpu.memref_squeeze %dma_start3A_32 : memref<1x80x128xf32, #tpu.memory_space<vmem>> -> memref<80x128xf32, #tpu.memory_space<vmem>>
    %dma_start3A_34 = arith.constant 0 : i32
    %dma_start3A_35 = tpu.memref_slice %arg3[%mul3A_2, %dma_start3A_34] : memref<320000x128xf32, #tpu.memory_space<hbm>> -> memref<80x128xf32, #tpu.memory_space<hbm>>
    %dma_start3A_36 = arith.constant 0 : i32
    %dma_start3A_37 = arith.constant 0 : i32
    %dma_start3A_38 = tpu.memref_slice %arg10[%dma_start3A_29, %dma_start3A_36, %dma_start3A_37] : memref<2x80x128xf32, #tpu.memory_space<vmem>> -> memref<1x80x128xf32, #tpu.memory_space<vmem>>
    %dma_start3A_39 = tpu.memref_squeeze %dma_start3A_38 : memref<1x80x128xf32, #tpu.memory_space<vmem>> -> memref<80x128xf32, #tpu.memory_space<vmem>>
    %dma_start3A_40 = arith.constant 0 : i32
    %dma_start3A_41 = tpu.memref_slice %arg3[%mul3A_2, %dma_start3A_40] : memref<320000x128xf32, #tpu.memory_space<hbm>> -> memref<80x128xf32, #tpu.memory_space<hbm>>
    tpu.enqueue_dma source(%dma_start3A_41 : memref<80x128xf32, #tpu.memory_space<hbm>>) target(%dma_start3A_39 : memref<80x128xf32, #tpu.memory_space<vmem>>) target_semaphore(%arg15 : memref<!tpu.dma_semaphore, #tpu.memory_space<semaphore_mem>>)
    %dma_start3A_42 = arith.constant 0 : i32
    %dma_start3A_43 = arith.constant 0 : i32
    %dma_start3A_44 = tpu.memref_slice %arg11[%dma_start3A_42, %dma_start3A_43] : memref<2x80xi32, #tpu.memory_space<vmem>> -> memref<1x80xi32, #tpu.memory_space<vmem>>
    %dma_start3A_45 = tpu.memref_squeeze %dma_start3A_44 : memref<1x80xi32, #tpu.memory_space<vmem>> -> memref<80xi32, #tpu.memory_space<vmem>>
    %dma_start3A_46 = tpu.memref_slice %arg6[%mul3A_2] : memref<320000xi32, #tpu.memory_space<hbm>> -> memref<80xi32, #tpu.memory_space<hbm>>
    %dma_start3A_47 = arith.constant 0 : i32
    %dma_start3A_48 = tpu.memref_slice %arg11[%dma_start3A_42, %dma_start3A_47] : memref<2x80xi32, #tpu.memory_space<vmem>> -> memref<1x80xi32, #tpu.memory_space<vmem>>
    %dma_start3A_49 = tpu.memref_squeeze %dma_start3A_48 : memref<1x80xi32, #tpu.memory_space<vmem>> -> memref<80xi32, #tpu.memory_space<vmem>>
    %dma_start3A_50 = tpu.memref_slice %arg6[%mul3A_2] : memref<320000xi32, #tpu.memory_space<hbm>> -> memref<80xi32, #tpu.memory_space<hbm>>
    tpu.enqueue_dma source(%dma_start3A_50 : memref<80xi32, #tpu.memory_space<hbm>>) target(%dma_start3A_49 : memref<80xi32, #tpu.memory_space<vmem>>) target_semaphore(%arg15 : memref<!tpu.dma_semaphore, #tpu.memory_space<semaphore_mem>>)
    %scan3A_51 = arith.constant 0 : i32
    %scan3A_52 = arith.constant 0 : i32
    %scan3A_53 = arith.constant 125 : i32
    %scan3A_54 = arith.addi %scan3A_52, %scan3A_53 : i32
    %scan3A_55 = arith.constant 1 : i32
    scf.for %scan3A_88 = %scan3A_52 to %scan3A_54 step %scan3A_55  : i32 {
      %mul3A_89 = arith.constant 2 : i32
      %mul3A_90 = arith.muli %mul3A_89, %scan3A_88 : i32
      %mul3A_91 = arith.constant 80 : i32
      %mul3A_92 = arith.muli %mul3A_90, %mul3A_91 : i32
      %add3A = arith.addi %mul3A_2, %mul3A_92 : i32
      %multiple_of3A_93 = tpu.assume_multiple %add3A, 8 : i32
      %add3A_94 = arith.constant 1 : i32
      %add3A_95 = arith.addi %mul3A_90, %add3A_94 : i32
      %mul3A_96 = arith.constant 80 : i32
      %mul3A_97 = arith.muli %add3A_95, %mul3A_96 : i32
      %add3A_98 = arith.addi %mul3A_2, %mul3A_97 : i32
      %multiple_of3A_99 = tpu.assume_multiple %add3A_98, 8 : i32
      %dma_wait3A = arith.constant 0 : i32
      %dma_wait3A_100 = arith.constant 0 : i32
      %dma_wait3A_101 = arith.constant 0 : i32
      %dma_wait3A_102 = tpu.memref_slice %arg10[%dma_wait3A, %dma_wait3A_100, %dma_wait3A_101] : memref<2x80x128xf32, #tpu.memory_space<vmem>> -> memref<1x80x128xf32, #tpu.memory_space<vmem>>
      %dma_wait3A_103 = tpu.memref_squeeze %dma_wait3A_102 : memref<1x80x128xf32, #tpu.memory_space<vmem>> -> memref<80x128xf32, #tpu.memory_space<vmem>>
      %dma_wait3A_104 = arith.constant 0 : i32
      %dma_wait3A_105 = tpu.memref_slice %arg3[%multiple_of3A_93, %dma_wait3A_104] : memref<320000x128xf32, #tpu.memory_space<hbm>> -> memref<80x128xf32, #tpu.memory_space<hbm>>
      %dma_wait3A_106 = arith.constant 0 : i32
      %dma_wait3A_107 = arith.constant 0 : i32
      %dma_wait3A_108 = tpu.memref_slice %arg10[%dma_wait3A, %dma_wait3A_106, %dma_wait3A_107] : memref<2x80x128xf32, #tpu.memory_space<vmem>> -> memref<1x80x128xf32, #tpu.memory_space<vmem>>
      %dma_wait3A_109 = tpu.memref_squeeze %dma_wait3A_108 : memref<1x80x128xf32, #tpu.memory_space<vmem>> -> memref<80x128xf32, #tpu.memory_space<vmem>>
      %dma_wait3A_110 = arith.constant 0 : i32
      %dma_wait3A_111 = tpu.memref_slice %arg3[%multiple_of3A_93, %dma_wait3A_110] : memref<320000x128xf32, #tpu.memory_space<hbm>> -> memref<80x128xf32, #tpu.memory_space<hbm>>
      tpu.wait_dma2 semaphore(%arg15 : memref<!tpu.dma_semaphore, #tpu.memory_space<semaphore_mem>>) src(%dma_wait3A_111 : memref<80x128xf32, #tpu.memory_space<hbm>>) dst(%dma_wait3A_109 : memref<80x128xf32, #tpu.memory_space<vmem>>)
      %dma_wait3A_112 = arith.constant 0 : i32
      %dma_wait3A_113 = arith.constant 0 : i32
      %dma_wait3A_114 = tpu.memref_slice %arg11[%dma_wait3A_112, %dma_wait3A_113] : memref<2x80xi32, #tpu.memory_space<vmem>> -> memref<1x80xi32, #tpu.memory_space<vmem>>
      %dma_wait3A_115 = tpu.memref_squeeze %dma_wait3A_114 : memref<1x80xi32, #tpu.memory_space<vmem>> -> memref<80xi32, #tpu.memory_space<vmem>>
      %dma_wait3A_116 = tpu.memref_slice %arg6[%multiple_of3A_93] : memref<320000xi32, #tpu.memory_space<hbm>> -> memref<80xi32, #tpu.memory_space<hbm>>
      %dma_wait3A_117 = arith.constant 0 : i32
      %dma_wait3A_118 = tpu.memref_slice %arg11[%dma_wait3A_112, %dma_wait3A_117] : memref<2x80xi32, #tpu.memory_space<vmem>> -> memref<1x80xi32, #tpu.memory_space<vmem>>
      %dma_wait3A_119 = tpu.memref_squeeze %dma_wait3A_118 : memref<1x80xi32, #tpu.memory_space<vmem>> -> memref<80xi32, #tpu.memory_space<vmem>>
      %dma_wait3A_120 = tpu.memref_slice %arg6[%multiple_of3A_93] : memref<320000xi32, #tpu.memory_space<hbm>> -> memref<80xi32, #tpu.memory_space<hbm>>
      tpu.wait_dma2 semaphore(%arg15 : memref<!tpu.dma_semaphore, #tpu.memory_space<semaphore_mem>>) src(%dma_wait3A_120 : memref<80xi32, #tpu.memory_space<hbm>>) dst(%dma_wait3A_119 : memref<80xi32, #tpu.memory_space<vmem>>)
      %dma_start3A_121 = arith.constant 1 : i32
      %dma_start3A_122 = arith.constant 0 : i32
      %dma_start3A_123 = arith.constant 0 : i32
      %dma_start3A_124 = tpu.memref_slice %arg10[%dma_start3A_121, %dma_start3A_122, %dma_start3A_123] : memref<2x80x128xf32, #tpu.memory_space<vmem>> -> memref<1x80x128xf32, #tpu.memory_space<vmem>>
      %dma_start3A_125 = tpu.memref_squeeze %dma_start3A_124 : memref<1x80x128xf32, #tpu.memory_space<vmem>> -> memref<80x128xf32, #tpu.memory_space<vmem>>
      %dma_start3A_126 = arith.constant 0 : i32
      %dma_start3A_127 = tpu.memref_slice %arg3[%multiple_of3A_99, %dma_start3A_126] : memref<320000x128xf32, #tpu.memory_space<hbm>> -> memref<80x128xf32, #tpu.memory_space<hbm>>
      %dma_start3A_128 = arith.constant 0 : i32
      %dma_start3A_129 = arith.constant 0 : i32
      %dma_start3A_130 = tpu.memref_slice %arg10[%dma_start3A_121, %dma_start3A_128, %dma_start3A_129] : memref<2x80x128xf32, #tpu.memory_space<vmem>> -> memref<1x80x128xf32, #tpu.memory_space<vmem>>
      %dma_start3A_131 = tpu.memref_squeeze %dma_start3A_130 : memref<1x80x128xf32, #tpu.memory_space<vmem>> -> memref<80x128xf32, #tpu.memory_space<vmem>>
      %dma_start3A_132 = arith.constant 0 : i32
      %dma_start3A_133 = tpu.memref_slice %arg3[%multiple_of3A_99, %dma_start3A_132] : memref<320000x128xf32, #tpu.memory_space<hbm>> -> memref<80x128xf32, #tpu.memory_space<hbm>>
      tpu.enqueue_dma source(%dma_start3A_133 : memref<80x128xf32, #tpu.memory_space<hbm>>) target(%dma_start3A_131 : memref<80x128xf32, #tpu.memory_space<vmem>>) target_semaphore(%arg16 : memref<!tpu.dma_semaphore, #tpu.memory_space<semaphore_mem>>)
      %dma_start3A_134 = arith.constant 1 : i32
      %dma_start3A_135 = arith.constant 0 : i32
      %dma_start3A_136 = tpu.memref_slice %arg11[%dma_start3A_134, %dma_start3A_135] : memref<2x80xi32, #tpu.memory_space<vmem>> -> memref<1x80xi32, #tpu.memory_space<vmem>>
      %dma_start3A_137 = tpu.memref_squeeze %dma_start3A_136 : memref<1x80xi32, #tpu.memory_space<vmem>> -> memref<80xi32, #tpu.memory_space<vmem>>
      %dma_start3A_138 = tpu.memref_slice %arg6[%multiple_of3A_99] : memref<320000xi32, #tpu.memory_space<hbm>> -> memref<80xi32, #tpu.memory_space<hbm>>
      %dma_start3A_139 = arith.constant 0 : i32
      %dma_start3A_140 = tpu.memref_slice %arg11[%dma_start3A_134, %dma_start3A_139] : memref<2x80xi32, #tpu.memory_space<vmem>> -> memref<1x80xi32, #tpu.memory_space<vmem>>
      %dma_start3A_141 = tpu.memref_squeeze %dma_start3A_140 : memref<1x80xi32, #tpu.memory_space<vmem>> -> memref<80xi32, #tpu.memory_space<vmem>>
      %dma_start3A_142 = tpu.memref_slice %arg6[%multiple_of3A_99] : memref<320000xi32, #tpu.memory_space<hbm>> -> memref<80xi32, #tpu.memory_space<hbm>>
      tpu.enqueue_dma source(%dma_start3A_142 : memref<80xi32, #tpu.memory_space<hbm>>) target(%dma_start3A_141 : memref<80xi32, #tpu.memory_space<vmem>>) target_semaphore(%arg16 : memref<!tpu.dma_semaphore, #tpu.memory_space<semaphore_mem>>)
      %run_scoped3A_143 = arith.constant 0 : i32
      %run_scoped3A_144 = arith.constant 0 : i32
      "tpu.region"() ({
        %run_scoped3A_173 = tpu.sem_alloc : memref<!tpu.dma_semaphore, #tpu.memory_space<semaphore_mem>>
        %dma_start3A_174 = arith.constant 0 : i32
        %dma_start3A_175 = arith.constant 0 : i32
        %dma_start3A_176 = tpu.memref_slice %arg10[%run_scoped3A_143, %dma_start3A_174, %dma_start3A_175] : memref<2x80x128xf32, #tpu.memory_space<vmem>> -> memref<1x80x128xf32, #tpu.memory_space<vmem>>
        %dma_start3A_177 = tpu.memref_squeeze %dma_start3A_176 : memref<1x80x128xf32, #tpu.memory_space<vmem>> -> memref<80x128xf32, #tpu.memory_space<vmem>>
        %dma_start3A_178 = arith.constant 0 : i32
        %dma_start3A_179 = tpu.memref_slice %arg11[%run_scoped3A_144, %dma_start3A_178] : memref<2x80xi32, #tpu.memory_space<vmem>> -> memref<1x80xi32, #tpu.memory_space<vmem>>
        %dma_start3A_180 = tpu.memref_squeeze %dma_start3A_179 : memref<1x80xi32, #tpu.memory_space<vmem>> -> memref<80xi32, #tpu.memory_space<vmem>>
        %dma_start3A_181 = arith.constant 0 : i32
        %dma_start3A_182 = arith.constant 0 : i32
        %dma_start3A_183 = tpu.memref_slice %arg13[%dma_start3A_181, %dma_start3A_182] : memref<256x128xf32, #tpu.memory_space<vmem_shared>> -> memref<256x128xf32, #tpu.memory_space<vmem_shared>>
        tpu.enqueue_indirect_dma source(%dma_start3A_177 : memref<80x128xf32, #tpu.memory_space<vmem>>) target(%dma_start3A_183 : memref<256x128xf32, #tpu.memory_space<vmem_shared>>) offsets(%dma_start3A_180 : memref<80xi32, #tpu.memory_space<vmem>>) semaphore(%run_scoped3A_173 : memref<!tpu.dma_semaphore, #tpu.memory_space<semaphore_mem>>) {add = true}
        %dma_wait3A_184 = arith.constant 0 : i32
        %dma_wait3A_185 = arith.constant 0 : i32
        %dma_wait3A_186 = tpu.memref_slice %arg10[%run_scoped3A_143, %dma_wait3A_184, %dma_wait3A_185] : memref<2x80x128xf32, #tpu.memory_space<vmem>> -> memref<1x80x128xf32, #tpu.memory_space<vmem>>
        %dma_wait3A_187 = tpu.memref_squeeze %dma_wait3A_186 : memref<1x80x128xf32, #tpu.memory_space<vmem>> -> memref<80x128xf32, #tpu.memory_space<vmem>>
        %dma_wait3A_188 = arith.constant 0 : i32
        %dma_wait3A_189 = tpu.memref_slice %arg11[%run_scoped3A_144, %dma_wait3A_188] : memref<2x80xi32, #tpu.memory_space<vmem>> -> memref<1x80xi32, #tpu.memory_space<vmem>>
        %dma_wait3A_190 = tpu.memref_squeeze %dma_wait3A_189 : memref<1x80xi32, #tpu.memory_space<vmem>> -> memref<80xi32, #tpu.memory_space<vmem>>
        %dma_wait3A_191 = arith.constant 0 : i32
        %dma_wait3A_192 = arith.constant 0 : i32
        %dma_wait3A_193 = tpu.memref_slice %arg13[%dma_wait3A_191, %dma_wait3A_192] : memref<256x128xf32, #tpu.memory_space<vmem_shared>> -> memref<256x128xf32, #tpu.memory_space<vmem_shared>>
        tpu.wait_indirect_dma semaphore(%run_scoped3A_173 : memref<!tpu.dma_semaphore, #tpu.memory_space<semaphore_mem>>) src(%dma_wait3A_187 : memref<80x128xf32, #tpu.memory_space<vmem>>) dst(%dma_wait3A_193 : memref<256x128xf32, #tpu.memory_space<vmem_shared>>)
        tpu.yield
      }) : () -> ()
      %dma_wait3A_145 = arith.constant 1 : i32
      %dma_wait3A_146 = arith.constant 0 : i32
      %dma_wait3A_147 = arith.constant 0 : i32
      %dma_wait3A_148 = tpu.memref_slice %arg10[%dma_wait3A_145, %dma_wait3A_146, %dma_wait3A_147] : memref<2x80x128xf32, #tpu.memory_space<vmem>> -> memref<1x80x128xf32, #tpu.memory_space<vmem>>
      %dma_wait3A_149 = tpu.memref_squeeze %dma_wait3A_148 : memref<1x80x128xf32, #tpu.memory_space<vmem>> -> memref<80x128xf32, #tpu.memory_space<vmem>>
      %dma_wait3A_150 = arith.constant 0 : i32
      %dma_wait3A_151 = tpu.memref_slice %arg3[%multiple_of3A_99, %dma_wait3A_150] : memref<320000x128xf32, #tpu.memory_space<hbm>> -> memref<80x128xf32, #tpu.memory_space<hbm>>
      %dma_wait3A_152 = arith.constant 0 : i32
      %dma_wait3A_153 = arith.constant 0 : i32
      %dma_wait3A_154 = tpu.memref_slice %arg10[%dma_wait3A_145, %dma_wait3A_152, %dma_wait3A_153] : memref<2x80x128xf32, #tpu.memory_space<vmem>> -> memref<1x80x128xf32, #tpu.memory_space<vmem>>
      %dma_wait3A_155 = tpu.memref_squeeze %dma_wait3A_154 : memref<1x80x128xf32, #tpu.memory_space<vmem>> -> memref<80x128xf32, #tpu.memory_space<vmem>>
      %dma_wait3A_156 = arith.constant 0 : i32
      %dma_wait3A_157 = tpu.memref_slice %arg3[%multiple_of3A_99, %dma_wait3A_156] : memref<320000x128xf32, #tpu.memory_space<hbm>> -> memref<80x128xf32, #tpu.memory_space<hbm>>
      tpu.wait_dma2 semaphore(%arg16 : memref<!tpu.dma_semaphore, #tpu.memory_space<semaphore_mem>>) src(%dma_wait3A_157 : memref<80x128xf32, #tpu.memory_space<hbm>>) dst(%dma_wait3A_155 : memref<80x128xf32, #tpu.memory_space<vmem>>)
      %dma_wait3A_158 = arith.constant 1 : i32
      %dma_wait3A_159 = arith.constant 0 : i32
      %dma_wait3A_160 = tpu.memref_slice %arg11[%dma_wait3A_158, %dma_wait3A_159] : memref<2x80xi32, #tpu.memory_space<vmem>> -> memref<1x80xi32, #tpu.memory_space<vmem>>
      %dma_wait3A_161 = tpu.memref_squeeze %dma_wait3A_160 : memref<1x80xi32, #tpu.memory_space<vmem>> -> memref<80xi32, #tpu.memory_space<vmem>>
      %dma_wait3A_162 = tpu.memref_slice %arg6[%multiple_of3A_99] : memref<320000xi32, #tpu.memory_space<hbm>> -> memref<80xi32, #tpu.memory_space<hbm>>
      %dma_wait3A_163 = arith.constant 0 : i32
      %dma_wait3A_164 = tpu.memref_slice %arg11[%dma_wait3A_158, %dma_wait3A_163] : memref<2x80xi32, #tpu.memory_space<vmem>> -> memref<1x80xi32, #tpu.memory_space<vmem>>
      %dma_wait3A_165 = tpu.memref_squeeze %dma_wait3A_164 : memref<1x80xi32, #tpu.memory_space<vmem>> -> memref<80xi32, #tpu.memory_space<vmem>>
      %dma_wait3A_166 = tpu.memref_slice %arg6[%multiple_of3A_99] : memref<320000xi32, #tpu.memory_space<hbm>> -> memref<80xi32, #tpu.memory_space<hbm>>
      tpu.wait_dma2 semaphore(%arg16 : memref<!tpu.dma_semaphore, #tpu.memory_space<semaphore_mem>>) src(%dma_wait3A_166 : memref<80xi32, #tpu.memory_space<hbm>>) dst(%dma_wait3A_165 : memref<80xi32, #tpu.memory_space<vmem>>)
      %add3A_167 = arith.constant 2 : i32
      %add3A_168 = arith.addi %mul3A_90, %add3A_167 : i32
      %lt3A = arith.constant 250 : i32
      %lt3A_169 = arith.cmpi slt, %add3A_168, %lt3A : i32
      %convert_element_type3A = arith.extui %lt3A_169 : i1 to i32
      %cond3A = arith.constant 0 : i32
      %cond3A_170 = arith.cmpi ne, %convert_element_type3A, %cond3A : i32
      scf.if %cond3A_170 {
        %add3A_173 = arith.constant 2 : i32
        %add3A_174 = arith.addi %mul3A_90, %add3A_173 : i32
        %mul3A_175 = arith.constant 80 : i32
        %mul3A_176 = arith.muli %add3A_174, %mul3A_175 : i32
        %add3A_177 = arith.addi %mul3A_2, %mul3A_176 : i32
        %multiple_of3A_178 = tpu.assume_multiple %add3A_177, 8 : i32
        %dma_start3A_179 = arith.constant 0 : i32
        %dma_start3A_180 = arith.constant 0 : i32
        %dma_start3A_181 = arith.constant 0 : i32
        %dma_start3A_182 = tpu.memref_slice %arg10[%dma_start3A_179, %dma_start3A_180, %dma_start3A_181] : memref<2x80x128xf32, #tpu.memory_space<vmem>> -> memref<1x80x128xf32, #tpu.memory_space<vmem>>
        %dma_start3A_183 = tpu.memref_squeeze %dma_start3A_182 : memref<1x80x128xf32, #tpu.memory_space<vmem>> -> memref<80x128xf32, #tpu.memory_space<vmem>>
        %dma_start3A_184 = arith.constant 0 : i32
        %dma_start3A_185 = tpu.memref_slice %arg3[%multiple_of3A_178, %dma_start3A_184] : memref<320000x128xf32, #tpu.memory_space<hbm>> -> memref<80x128xf32, #tpu.memory_space<hbm>>
        %dma_start3A_186 = arith.constant 0 : i32
        %dma_start3A_187 = arith.constant 0 : i32
        %dma_start3A_188 = tpu.memref_slice %arg10[%dma_start3A_179, %dma_start3A_186, %dma_start3A_187] : memref<2x80x128xf32, #tpu.memory_space<vmem>> -> memref<1x80x128xf32, #tpu.memory_space<vmem>>
        %dma_start3A_189 = tpu.memref_squeeze %dma_start3A_188 : memref<1x80x128xf32, #tpu.memory_space<vmem>> -> memref<80x128xf32, #tpu.memory_space<vmem>>
        %dma_start3A_190 = arith.constant 0 : i32
        %dma_start3A_191 = tpu.memref_slice %arg3[%multiple_of3A_178, %dma_start3A_190] : memref<320000x128xf32, #tpu.memory_space<hbm>> -> memref<80x128xf32, #tpu.memory_space<hbm>>
        tpu.enqueue_dma source(%dma_start3A_191 : memref<80x128xf32, #tpu.memory_space<hbm>>) target(%dma_start3A_189 : memref<80x128xf32, #tpu.memory_space<vmem>>) target_semaphore(%arg15 : memref<!tpu.dma_semaphore, #tpu.memory_space<semaphore_mem>>)
        %dma_start3A_192 = arith.constant 0 : i32
        %dma_start3A_193 = arith.constant 0 : i32
        %dma_start3A_194 = tpu.memref_slice %arg11[%dma_start3A_192, %dma_start3A_193] : memref<2x80xi32, #tpu.memory_space<vmem>> -> memref<1x80xi32, #tpu.memory_space<vmem>>
        %dma_start3A_195 = tpu.memref_squeeze %dma_start3A_194 : memref<1x80xi32, #tpu.memory_space<vmem>> -> memref<80xi32, #tpu.memory_space<vmem>>
        %dma_start3A_196 = tpu.memref_slice %arg6[%multiple_of3A_178] : memref<320000xi32, #tpu.memory_space<hbm>> -> memref<80xi32, #tpu.memory_space<hbm>>
        %dma_start3A_197 = arith.constant 0 : i32
        %dma_start3A_198 = tpu.memref_slice %arg11[%dma_start3A_192, %dma_start3A_197] : memref<2x80xi32, #tpu.memory_space<vmem>> -> memref<1x80xi32, #tpu.memory_space<vmem>>
        %dma_start3A_199 = tpu.memref_squeeze %dma_start3A_198 : memref<1x80xi32, #tpu.memory_space<vmem>> -> memref<80xi32, #tpu.memory_space<vmem>>
        %dma_start3A_200 = tpu.memref_slice %arg6[%multiple_of3A_178] : memref<320000xi32, #tpu.memory_space<hbm>> -> memref<80xi32, #tpu.memory_space<hbm>>
        tpu.enqueue_dma source(%dma_start3A_200 : memref<80xi32, #tpu.memory_space<hbm>>) target(%dma_start3A_199 : memref<80xi32, #tpu.memory_space<vmem>>) target_semaphore(%arg15 : memref<!tpu.dma_semaphore, #tpu.memory_space<semaphore_mem>>)
      } else {
      }
      %run_scoped3A_171 = arith.constant 1 : i32
      %run_scoped3A_172 = arith.constant 1 : i32
      "tpu.region"() ({
        %run_scoped3A_173 = tpu.sem_alloc : memref<!tpu.dma_semaphore, #tpu.memory_space<semaphore_mem>>
        %dma_start3A_174 = arith.constant 0 : i32
        %dma_start3A_175 = arith.constant 0 : i32
        %dma_start3A_176 = tpu.memref_slice %arg10[%run_scoped3A_171, %dma_start3A_174, %dma_start3A_175] : memref<2x80x128xf32, #tpu.memory_space<vmem>> -> memref<1x80x128xf32, #tpu.memory_space<vmem>>
        %dma_start3A_177 = tpu.memref_squeeze %dma_start3A_176 : memref<1x80x128xf32, #tpu.memory_space<vmem>> -> memref<80x128xf32, #tpu.memory_space<vmem>>
        %dma_start3A_178 = arith.constant 0 : i32
        %dma_start3A_179 = tpu.memref_slice %arg11[%run_scoped3A_172, %dma_start3A_178] : memref<2x80xi32, #tpu.memory_space<vmem>> -> memref<1x80xi32, #tpu.memory_space<vmem>>
        %dma_start3A_180 = tpu.memref_squeeze %dma_start3A_179 : memref<1x80xi32, #tpu.memory_space<vmem>> -> memref<80xi32, #tpu.memory_space<vmem>>
        %dma_start3A_181 = arith.constant 0 : i32
        %dma_start3A_182 = arith.constant 0 : i32
        %dma_start3A_183 = tpu.memref_slice %arg13[%dma_start3A_181, %dma_start3A_182] : memref<256x128xf32, #tpu.memory_space<vmem_shared>> -> memref<256x128xf32, #tpu.memory_space<vmem_shared>>
        tpu.enqueue_indirect_dma source(%dma_start3A_177 : memref<80x128xf32, #tpu.memory_space<vmem>>) target(%dma_start3A_183 : memref<256x128xf32, #tpu.memory_space<vmem_shared>>) offsets(%dma_start3A_180 : memref<80xi32, #tpu.memory_space<vmem>>) semaphore(%run_scoped3A_173 : memref<!tpu.dma_semaphore, #tpu.memory_space<semaphore_mem>>) {add = true}
        %dma_wait3A_184 = arith.constant 0 : i32
        %dma_wait3A_185 = arith.constant 0 : i32
        %dma_wait3A_186 = tpu.memref_slice %arg10[%run_scoped3A_171, %dma_wait3A_184, %dma_wait3A_185] : memref<2x80x128xf32, #tpu.memory_space<vmem>> -> memref<1x80x128xf32, #tpu.memory_space<vmem>>
        %dma_wait3A_187 = tpu.memref_squeeze %dma_wait3A_186 : memref<1x80x128xf32, #tpu.memory_space<vmem>> -> memref<80x128xf32, #tpu.memory_space<vmem>>
        %dma_wait3A_188 = arith.constant 0 : i32
        %dma_wait3A_189 = tpu.memref_slice %arg11[%run_scoped3A_172, %dma_wait3A_188] : memref<2x80xi32, #tpu.memory_space<vmem>> -> memref<1x80xi32, #tpu.memory_space<vmem>>
        %dma_wait3A_190 = tpu.memref_squeeze %dma_wait3A_189 : memref<1x80xi32, #tpu.memory_space<vmem>> -> memref<80xi32, #tpu.memory_space<vmem>>
        %dma_wait3A_191 = arith.constant 0 : i32
        %dma_wait3A_192 = arith.constant 0 : i32
        %dma_wait3A_193 = tpu.memref_slice %arg13[%dma_wait3A_191, %dma_wait3A_192] : memref<256x128xf32, #tpu.memory_space<vmem_shared>> -> memref<256x128xf32, #tpu.memory_space<vmem_shared>>
        tpu.wait_indirect_dma semaphore(%run_scoped3A_173 : memref<!tpu.dma_semaphore, #tpu.memory_space<semaphore_mem>>) src(%dma_wait3A_187 : memref<80x128xf32, #tpu.memory_space<vmem>>) dst(%dma_wait3A_193 : memref<256x128xf32, #tpu.memory_space<vmem_shared>>)
        tpu.yield
      }) : () -> ()
    }
    %scan3A_56 = arith.constant 125 : i32
    %dma_start3A_57 = arith.constant 0 : i32
    %dma_start3A_58 = arith.constant 0 : i32
    %dma_start3A_59 = arith.constant 0 : i32
    %dma_start3A_60 = tpu.memref_slice %arg10[%dma_start3A_57, %dma_start3A_58, %dma_start3A_59] : memref<2x80x128xf32, #tpu.memory_space<vmem>> -> memref<1x80x128xf32, #tpu.memory_space<vmem>>
    %dma_start3A_61 = tpu.memref_squeeze %dma_start3A_60 : memref<1x80x128xf32, #tpu.memory_space<vmem>> -> memref<80x128xf32, #tpu.memory_space<vmem>>
    %dma_start3A_62 = arith.constant 0 : i32
    %dma_start3A_63 = tpu.memref_slice %arg4[%mul3A_2, %dma_start3A_62] : memref<320000x128xf32, #tpu.memory_space<hbm>> -> memref<80x128xf32, #tpu.memory_space<hbm>>
    %dma_start3A_64 = arith.constant 0 : i32
    %dma_start3A_65 = arith.constant 0 : i32
    %dma_start3A_66 = tpu.memref_slice %arg10[%dma_start3A_57, %dma_start3A_64, %dma_start3A_65] : memref<2x80x128xf32, #tpu.memory_space<vmem>> -> memref<1x80x128xf32, #tpu.memory_space<vmem>>
    %dma_start3A_67 = tpu.memref_squeeze %dma_start3A_66 : memref<1x80x128xf32, #tpu.memory_space<vmem>> -> memref<80x128xf32, #tpu.memory_space<vmem>>
    %dma_start3A_68 = arith.constant 0 : i32
    %dma_start3A_69 = tpu.memref_slice %arg4[%mul3A_2, %dma_start3A_68] : memref<320000x128xf32, #tpu.memory_space<hbm>> -> memref<80x128xf32, #tpu.memory_space<hbm>>
    tpu.enqueue_dma source(%dma_start3A_69 : memref<80x128xf32, #tpu.memory_space<hbm>>) target(%dma_start3A_67 : memref<80x128xf32, #tpu.memory_space<vmem>>) target_semaphore(%arg15 : memref<!tpu.dma_semaphore, #tpu.memory_space<semaphore_mem>>)
    %dma_start3A_70 = arith.constant 0 : i32
    %dma_start3A_71 = arith.constant 0 : i32
    %dma_start3A_72 = tpu.memref_slice %arg11[%dma_start3A_70, %dma_start3A_71] : memref<2x80xi32, #tpu.memory_space<vmem>> -> memref<1x80xi32, #tpu.memory_space<vmem>>
    %dma_start3A_73 = tpu.memref_squeeze %dma_start3A_72 : memref<1x80xi32, #tpu.memory_space<vmem>> -> memref<80xi32, #tpu.memory_space<vmem>>
    %dma_start3A_74 = tpu.memref_slice %arg7[%mul3A_2] : memref<320000xi32, #tpu.memory_space<hbm>> -> memref<80xi32, #tpu.memory_space<hbm>>
    %dma_start3A_75 = arith.constant 0 : i32
    %dma_start3A_76 = tpu.memref_slice %arg11[%dma_start3A_70, %dma_start3A_75] : memref<2x80xi32, #tpu.memory_space<vmem>> -> memref<1x80xi32, #tpu.memory_space<vmem>>
    %dma_start3A_77 = tpu.memref_squeeze %dma_start3A_76 : memref<1x80xi32, #tpu.memory_space<vmem>> -> memref<80xi32, #tpu.memory_space<vmem>>
    %dma_start3A_78 = tpu.memref_slice %arg7[%mul3A_2] : memref<320000xi32, #tpu.memory_space<hbm>> -> memref<80xi32, #tpu.memory_space<hbm>>
    tpu.enqueue_dma source(%dma_start3A_78 : memref<80xi32, #tpu.memory_space<hbm>>) target(%dma_start3A_77 : memref<80xi32, #tpu.memory_space<vmem>>) target_semaphore(%arg15 : memref<!tpu.dma_semaphore, #tpu.memory_space<semaphore_mem>>)
    %scan3A_79 = arith.constant 0 : i32
    %scan3A_80 = arith.constant 0 : i32
    %scan3A_81 = arith.constant 125 : i32
    %scan3A_82 = arith.addi %scan3A_80, %scan3A_81 : i32
    %scan3A_83 = arith.constant 1 : i32
    scf.for %scan3A_88 = %scan3A_80 to %scan3A_82 step %scan3A_83  : i32 {
      %mul3A_89 = arith.constant 2 : i32
      %mul3A_90 = arith.muli %mul3A_89, %scan3A_88 : i32
      %mul3A_91 = arith.constant 80 : i32
      %mul3A_92 = arith.muli %mul3A_90, %mul3A_91 : i32
      %add3A = arith.addi %mul3A_2, %mul3A_92 : i32
      %multiple_of3A_93 = tpu.assume_multiple %add3A, 8 : i32
      %add3A_94 = arith.constant 1 : i32
      %add3A_95 = arith.addi %mul3A_90, %add3A_94 : i32
      %mul3A_96 = arith.constant 80 : i32
      %mul3A_97 = arith.muli %add3A_95, %mul3A_96 : i32
      %add3A_98 = arith.addi %mul3A_2, %mul3A_97 : i32
      %multiple_of3A_99 = tpu.assume_multiple %add3A_98, 8 : i32
      %dma_wait3A = arith.constant 0 : i32
      %dma_wait3A_100 = arith.constant 0 : i32
      %dma_wait3A_101 = arith.constant 0 : i32
      %dma_wait3A_102 = tpu.memref_slice %arg10[%dma_wait3A, %dma_wait3A_100, %dma_wait3A_101] : memref<2x80x128xf32, #tpu.memory_space<vmem>> -> memref<1x80x128xf32, #tpu.memory_space<vmem>>
      %dma_wait3A_103 = tpu.memref_squeeze %dma_wait3A_102 : memref<1x80x128xf32, #tpu.memory_space<vmem>> -> memref<80x128xf32, #tpu.memory_space<vmem>>
      %dma_wait3A_104 = arith.constant 0 : i32
      %dma_wait3A_105 = tpu.memref_slice %arg4[%multiple_of3A_93, %dma_wait3A_104] : memref<320000x128xf32, #tpu.memory_space<hbm>> -> memref<80x128xf32, #tpu.memory_space<hbm>>
      %dma_wait3A_106 = arith.constant 0 : i32
      %dma_wait3A_107 = arith.constant 0 : i32
      %dma_wait3A_108 = tpu.memref_slice %arg10[%dma_wait3A, %dma_wait3A_106, %dma_wait3A_107] : memref<2x80x128xf32, #tpu.memory_space<vmem>> -> memref<1x80x128xf32, #tpu.memory_space<vmem>>
      %dma_wait3A_109 = tpu.memref_squeeze %dma_wait3A_108 : memref<1x80x128xf32, #tpu.memory_space<vmem>> -> memref<80x128xf32, #tpu.memory_space<vmem>>
      %dma_wait3A_110 = arith.constant 0 : i32
      %dma_wait3A_111 = tpu.memref_slice %arg4[%multiple_of3A_93, %dma_wait3A_110] : memref<320000x128xf32, #tpu.memory_space<hbm>> -> memref<80x128xf32, #tpu.memory_space<hbm>>
      tpu.wait_dma2 semaphore(%arg15 : memref<!tpu.dma_semaphore, #tpu.memory_space<semaphore_mem>>) src(%dma_wait3A_111 : memref<80x128xf32, #tpu.memory_space<hbm>>) dst(%dma_wait3A_109 : memref<80x128xf32, #tpu.memory_space<vmem>>)
      %dma_wait3A_112 = arith.constant 0 : i32
      %dma_wait3A_113 = arith.constant 0 : i32
      %dma_wait3A_114 = tpu.memref_slice %arg11[%dma_wait3A_112, %dma_wait3A_113] : memref<2x80xi32, #tpu.memory_space<vmem>> -> memref<1x80xi32, #tpu.memory_space<vmem>>
      %dma_wait3A_115 = tpu.memref_squeeze %dma_wait3A_114 : memref<1x80xi32, #tpu.memory_space<vmem>> -> memref<80xi32, #tpu.memory_space<vmem>>
      %dma_wait3A_116 = tpu.memref_slice %arg7[%multiple_of3A_93] : memref<320000xi32, #tpu.memory_space<hbm>> -> memref<80xi32, #tpu.memory_space<hbm>>
      %dma_wait3A_117 = arith.constant 0 : i32
      %dma_wait3A_118 = tpu.memref_slice %arg11[%dma_wait3A_112, %dma_wait3A_117] : memref<2x80xi32, #tpu.memory_space<vmem>> -> memref<1x80xi32, #tpu.memory_space<vmem>>
      %dma_wait3A_119 = tpu.memref_squeeze %dma_wait3A_118 : memref<1x80xi32, #tpu.memory_space<vmem>> -> memref<80xi32, #tpu.memory_space<vmem>>
      %dma_wait3A_120 = tpu.memref_slice %arg7[%multiple_of3A_93] : memref<320000xi32, #tpu.memory_space<hbm>> -> memref<80xi32, #tpu.memory_space<hbm>>
      tpu.wait_dma2 semaphore(%arg15 : memref<!tpu.dma_semaphore, #tpu.memory_space<semaphore_mem>>) src(%dma_wait3A_120 : memref<80xi32, #tpu.memory_space<hbm>>) dst(%dma_wait3A_119 : memref<80xi32, #tpu.memory_space<vmem>>)
      %dma_start3A_121 = arith.constant 1 : i32
      %dma_start3A_122 = arith.constant 0 : i32
      %dma_start3A_123 = arith.constant 0 : i32
      %dma_start3A_124 = tpu.memref_slice %arg10[%dma_start3A_121, %dma_start3A_122, %dma_start3A_123] : memref<2x80x128xf32, #tpu.memory_space<vmem>> -> memref<1x80x128xf32, #tpu.memory_space<vmem>>
      %dma_start3A_125 = tpu.memref_squeeze %dma_start3A_124 : memref<1x80x128xf32, #tpu.memory_space<vmem>> -> memref<80x128xf32, #tpu.memory_space<vmem>>
      %dma_start3A_126 = arith.constant 0 : i32
      %dma_start3A_127 = tpu.memref_slice %arg4[%multiple_of3A_99, %dma_start3A_126] : memref<320000x128xf32, #tpu.memory_space<hbm>> -> memref<80x128xf32, #tpu.memory_space<hbm>>
      %dma_start3A_128 = arith.constant 0 : i32
      %dma_start3A_129 = arith.constant 0 : i32
      %dma_start3A_130 = tpu.memref_slice %arg10[%dma_start3A_121, %dma_start3A_128, %dma_start3A_129] : memref<2x80x128xf32, #tpu.memory_space<vmem>> -> memref<1x80x128xf32, #tpu.memory_space<vmem>>
      %dma_start3A_131 = tpu.memref_squeeze %dma_start3A_130 : memref<1x80x128xf32, #tpu.memory_space<vmem>> -> memref<80x128xf32, #tpu.memory_space<vmem>>
      %dma_start3A_132 = arith.constant 0 : i32
      %dma_start3A_133 = tpu.memref_slice %arg4[%multiple_of3A_99, %dma_start3A_132] : memref<320000x128xf32, #tpu.memory_space<hbm>> -> memref<80x128xf32, #tpu.memory_space<hbm>>
      tpu.enqueue_dma source(%dma_start3A_133 : memref<80x128xf32, #tpu.memory_space<hbm>>) target(%dma_start3A_131 : memref<80x128xf32, #tpu.memory_space<vmem>>) target_semaphore(%arg16 : memref<!tpu.dma_semaphore, #tpu.memory_space<semaphore_mem>>)
      %dma_start3A_134 = arith.constant 1 : i32
      %dma_start3A_135 = arith.constant 0 : i32
      %dma_start3A_136 = tpu.memref_slice %arg11[%dma_start3A_134, %dma_start3A_135] : memref<2x80xi32, #tpu.memory_space<vmem>> -> memref<1x80xi32, #tpu.memory_space<vmem>>
      %dma_start3A_137 = tpu.memref_squeeze %dma_start3A_136 : memref<1x80xi32, #tpu.memory_space<vmem>> -> memref<80xi32, #tpu.memory_space<vmem>>
      %dma_start3A_138 = tpu.memref_slice %arg7[%multiple_of3A_99] : memref<320000xi32, #tpu.memory_space<hbm>> -> memref<80xi32, #tpu.memory_space<hbm>>
      %dma_start3A_139 = arith.constant 0 : i32
      %dma_start3A_140 = tpu.memref_slice %arg11[%dma_start3A_134, %dma_start3A_139] : memref<2x80xi32, #tpu.memory_space<vmem>> -> memref<1x80xi32, #tpu.memory_space<vmem>>
      %dma_start3A_141 = tpu.memref_squeeze %dma_start3A_140 : memref<1x80xi32, #tpu.memory_space<vmem>> -> memref<80xi32, #tpu.memory_space<vmem>>
      %dma_start3A_142 = tpu.memref_slice %arg7[%multiple_of3A_99] : memref<320000xi32, #tpu.memory_space<hbm>> -> memref<80xi32, #tpu.memory_space<hbm>>
      tpu.enqueue_dma source(%dma_start3A_142 : memref<80xi32, #tpu.memory_space<hbm>>) target(%dma_start3A_141 : memref<80xi32, #tpu.memory_space<vmem>>) target_semaphore(%arg16 : memref<!tpu.dma_semaphore, #tpu.memory_space<semaphore_mem>>)
      %run_scoped3A_143 = arith.constant 0 : i32
      %run_scoped3A_144 = arith.constant 0 : i32
      "tpu.region"() ({
        %run_scoped3A_173 = tpu.sem_alloc : memref<!tpu.dma_semaphore, #tpu.memory_space<semaphore_mem>>
        %dma_start3A_174 = arith.constant 0 : i32
        %dma_start3A_175 = arith.constant 0 : i32
        %dma_start3A_176 = tpu.memref_slice %arg10[%run_scoped3A_143, %dma_start3A_174, %dma_start3A_175] : memref<2x80x128xf32, #tpu.memory_space<vmem>> -> memref<1x80x128xf32, #tpu.memory_space<vmem>>
        %dma_start3A_177 = tpu.memref_squeeze %dma_start3A_176 : memref<1x80x128xf32, #tpu.memory_space<vmem>> -> memref<80x128xf32, #tpu.memory_space<vmem>>
        %dma_start3A_178 = arith.constant 0 : i32
        %dma_start3A_179 = tpu.memref_slice %arg11[%run_scoped3A_144, %dma_start3A_178] : memref<2x80xi32, #tpu.memory_space<vmem>> -> memref<1x80xi32, #tpu.memory_space<vmem>>
        %dma_start3A_180 = tpu.memref_squeeze %dma_start3A_179 : memref<1x80xi32, #tpu.memory_space<vmem>> -> memref<80xi32, #tpu.memory_space<vmem>>
        %dma_start3A_181 = arith.constant 0 : i32
        %dma_start3A_182 = arith.constant 0 : i32
        %dma_start3A_183 = tpu.memref_slice %arg14[%dma_start3A_181, %dma_start3A_182] : memref<256x128xf32, #tpu.memory_space<vmem_shared>> -> memref<256x128xf32, #tpu.memory_space<vmem_shared>>
        tpu.enqueue_indirect_dma source(%dma_start3A_177 : memref<80x128xf32, #tpu.memory_space<vmem>>) target(%dma_start3A_183 : memref<256x128xf32, #tpu.memory_space<vmem_shared>>) offsets(%dma_start3A_180 : memref<80xi32, #tpu.memory_space<vmem>>) semaphore(%run_scoped3A_173 : memref<!tpu.dma_semaphore, #tpu.memory_space<semaphore_mem>>) {add = true}
        %dma_wait3A_184 = arith.constant 0 : i32
        %dma_wait3A_185 = arith.constant 0 : i32
        %dma_wait3A_186 = tpu.memref_slice %arg10[%run_scoped3A_143, %dma_wait3A_184, %dma_wait3A_185] : memref<2x80x128xf32, #tpu.memory_space<vmem>> -> memref<1x80x128xf32, #tpu.memory_space<vmem>>
        %dma_wait3A_187 = tpu.memref_squeeze %dma_wait3A_186 : memref<1x80x128xf32, #tpu.memory_space<vmem>> -> memref<80x128xf32, #tpu.memory_space<vmem>>
        %dma_wait3A_188 = arith.constant 0 : i32
        %dma_wait3A_189 = tpu.memref_slice %arg11[%run_scoped3A_144, %dma_wait3A_188] : memref<2x80xi32, #tpu.memory_space<vmem>> -> memref<1x80xi32, #tpu.memory_space<vmem>>
        %dma_wait3A_190 = tpu.memref_squeeze %dma_wait3A_189 : memref<1x80xi32, #tpu.memory_space<vmem>> -> memref<80xi32, #tpu.memory_space<vmem>>
        %dma_wait3A_191 = arith.constant 0 : i32
        %dma_wait3A_192 = arith.constant 0 : i32
        %dma_wait3A_193 = tpu.memref_slice %arg14[%dma_wait3A_191, %dma_wait3A_192] : memref<256x128xf32, #tpu.memory_space<vmem_shared>> -> memref<256x128xf32, #tpu.memory_space<vmem_shared>>
        tpu.wait_indirect_dma semaphore(%run_scoped3A_173 : memref<!tpu.dma_semaphore, #tpu.memory_space<semaphore_mem>>) src(%dma_wait3A_187 : memref<80x128xf32, #tpu.memory_space<vmem>>) dst(%dma_wait3A_193 : memref<256x128xf32, #tpu.memory_space<vmem_shared>>)
        tpu.yield
      }) : () -> ()
      %dma_wait3A_145 = arith.constant 1 : i32
      %dma_wait3A_146 = arith.constant 0 : i32
      %dma_wait3A_147 = arith.constant 0 : i32
      %dma_wait3A_148 = tpu.memref_slice %arg10[%dma_wait3A_145, %dma_wait3A_146, %dma_wait3A_147] : memref<2x80x128xf32, #tpu.memory_space<vmem>> -> memref<1x80x128xf32, #tpu.memory_space<vmem>>
      %dma_wait3A_149 = tpu.memref_squeeze %dma_wait3A_148 : memref<1x80x128xf32, #tpu.memory_space<vmem>> -> memref<80x128xf32, #tpu.memory_space<vmem>>
      %dma_wait3A_150 = arith.constant 0 : i32
      %dma_wait3A_151 = tpu.memref_slice %arg4[%multiple_of3A_99, %dma_wait3A_150] : memref<320000x128xf32, #tpu.memory_space<hbm>> -> memref<80x128xf32, #tpu.memory_space<hbm>>
      %dma_wait3A_152 = arith.constant 0 : i32
      %dma_wait3A_153 = arith.constant 0 : i32
      %dma_wait3A_154 = tpu.memref_slice %arg10[%dma_wait3A_145, %dma_wait3A_152, %dma_wait3A_153] : memref<2x80x128xf32, #tpu.memory_space<vmem>> -> memref<1x80x128xf32, #tpu.memory_space<vmem>>
      %dma_wait3A_155 = tpu.memref_squeeze %dma_wait3A_154 : memref<1x80x128xf32, #tpu.memory_space<vmem>> -> memref<80x128xf32, #tpu.memory_space<vmem>>
      %dma_wait3A_156 = arith.constant 0 : i32
      %dma_wait3A_157 = tpu.memref_slice %arg4[%multiple_of3A_99, %dma_wait3A_156] : memref<320000x128xf32, #tpu.memory_space<hbm>> -> memref<80x128xf32, #tpu.memory_space<hbm>>
      tpu.wait_dma2 semaphore(%arg16 : memref<!tpu.dma_semaphore, #tpu.memory_space<semaphore_mem>>) src(%dma_wait3A_157 : memref<80x128xf32, #tpu.memory_space<hbm>>) dst(%dma_wait3A_155 : memref<80x128xf32, #tpu.memory_space<vmem>>)
      %dma_wait3A_158 = arith.constant 1 : i32
      %dma_wait3A_159 = arith.constant 0 : i32
      %dma_wait3A_160 = tpu.memref_slice %arg11[%dma_wait3A_158, %dma_wait3A_159] : memref<2x80xi32, #tpu.memory_space<vmem>> -> memref<1x80xi32, #tpu.memory_space<vmem>>
      %dma_wait3A_161 = tpu.memref_squeeze %dma_wait3A_160 : memref<1x80xi32, #tpu.memory_space<vmem>> -> memref<80xi32, #tpu.memory_space<vmem>>
      %dma_wait3A_162 = tpu.memref_slice %arg7[%multiple_of3A_99] : memref<320000xi32, #tpu.memory_space<hbm>> -> memref<80xi32, #tpu.memory_space<hbm>>
      %dma_wait3A_163 = arith.constant 0 : i32
      %dma_wait3A_164 = tpu.memref_slice %arg11[%dma_wait3A_158, %dma_wait3A_163] : memref<2x80xi32, #tpu.memory_space<vmem>> -> memref<1x80xi32, #tpu.memory_space<vmem>>
      %dma_wait3A_165 = tpu.memref_squeeze %dma_wait3A_164 : memref<1x80xi32, #tpu.memory_space<vmem>> -> memref<80xi32, #tpu.memory_space<vmem>>
      %dma_wait3A_166 = tpu.memref_slice %arg7[%multiple_of3A_99] : memref<320000xi32, #tpu.memory_space<hbm>> -> memref<80xi32, #tpu.memory_space<hbm>>
      tpu.wait_dma2 semaphore(%arg16 : memref<!tpu.dma_semaphore, #tpu.memory_space<semaphore_mem>>) src(%dma_wait3A_166 : memref<80xi32, #tpu.memory_space<hbm>>) dst(%dma_wait3A_165 : memref<80xi32, #tpu.memory_space<vmem>>)
      %add3A_167 = arith.constant 2 : i32
      %add3A_168 = arith.addi %mul3A_90, %add3A_167 : i32
      %lt3A = arith.constant 250 : i32
      %lt3A_169 = arith.cmpi slt, %add3A_168, %lt3A : i32
      %convert_element_type3A = arith.extui %lt3A_169 : i1 to i32
      %cond3A = arith.constant 0 : i32
      %cond3A_170 = arith.cmpi ne, %convert_element_type3A, %cond3A : i32
      scf.if %cond3A_170 {
        %add3A_173 = arith.constant 2 : i32
        %add3A_174 = arith.addi %mul3A_90, %add3A_173 : i32
        %mul3A_175 = arith.constant 80 : i32
        %mul3A_176 = arith.muli %add3A_174, %mul3A_175 : i32
        %add3A_177 = arith.addi %mul3A_2, %mul3A_176 : i32
        %multiple_of3A_178 = tpu.assume_multiple %add3A_177, 8 : i32
        %dma_start3A_179 = arith.constant 0 : i32
        %dma_start3A_180 = arith.constant 0 : i32
        %dma_start3A_181 = arith.constant 0 : i32
        %dma_start3A_182 = tpu.memref_slice %arg10[%dma_start3A_179, %dma_start3A_180, %dma_start3A_181] : memref<2x80x128xf32, #tpu.memory_space<vmem>> -> memref<1x80x128xf32, #tpu.memory_space<vmem>>
        %dma_start3A_183 = tpu.memref_squeeze %dma_start3A_182 : memref<1x80x128xf32, #tpu.memory_space<vmem>> -> memref<80x128xf32, #tpu.memory_space<vmem>>
        %dma_start3A_184 = arith.constant 0 : i32
        %dma_start3A_185 = tpu.memref_slice %arg4[%multiple_of3A_178, %dma_start3A_184] : memref<320000x128xf32, #tpu.memory_space<hbm>> -> memref<80x128xf32, #tpu.memory_space<hbm>>
        %dma_start3A_186 = arith.constant 0 : i32
        %dma_start3A_187 = arith.constant 0 : i32
        %dma_start3A_188 = tpu.memref_slice %arg10[%dma_start3A_179, %dma_start3A_186, %dma_start3A_187] : memref<2x80x128xf32, #tpu.memory_space<vmem>> -> memref<1x80x128xf32, #tpu.memory_space<vmem>>
        %dma_start3A_189 = tpu.memref_squeeze %dma_start3A_188 : memref<1x80x128xf32, #tpu.memory_space<vmem>> -> memref<80x128xf32, #tpu.memory_space<vmem>>
        %dma_start3A_190 = arith.constant 0 : i32
        %dma_start3A_191 = tpu.memref_slice %arg4[%multiple_of3A_178, %dma_start3A_190] : memref<320000x128xf32, #tpu.memory_space<hbm>> -> memref<80x128xf32, #tpu.memory_space<hbm>>
        tpu.enqueue_dma source(%dma_start3A_191 : memref<80x128xf32, #tpu.memory_space<hbm>>) target(%dma_start3A_189 : memref<80x128xf32, #tpu.memory_space<vmem>>) target_semaphore(%arg15 : memref<!tpu.dma_semaphore, #tpu.memory_space<semaphore_mem>>)
        %dma_start3A_192 = arith.constant 0 : i32
        %dma_start3A_193 = arith.constant 0 : i32
        %dma_start3A_194 = tpu.memref_slice %arg11[%dma_start3A_192, %dma_start3A_193] : memref<2x80xi32, #tpu.memory_space<vmem>> -> memref<1x80xi32, #tpu.memory_space<vmem>>
        %dma_start3A_195 = tpu.memref_squeeze %dma_start3A_194 : memref<1x80xi32, #tpu.memory_space<vmem>> -> memref<80xi32, #tpu.memory_space<vmem>>
        %dma_start3A_196 = tpu.memref_slice %arg7[%multiple_of3A_178] : memref<320000xi32, #tpu.memory_space<hbm>> -> memref<80xi32, #tpu.memory_space<hbm>>
        %dma_start3A_197 = arith.constant 0 : i32
        %dma_start3A_198 = tpu.memref_slice %arg11[%dma_start3A_192, %dma_start3A_197] : memref<2x80xi32, #tpu.memory_space<vmem>> -> memref<1x80xi32, #tpu.memory_space<vmem>>
        %dma_start3A_199 = tpu.memref_squeeze %dma_start3A_198 : memref<1x80xi32, #tpu.memory_space<vmem>> -> memref<80xi32, #tpu.memory_space<vmem>>
        %dma_start3A_200 = tpu.memref_slice %arg7[%multiple_of3A_178] : memref<320000xi32, #tpu.memory_space<hbm>> -> memref<80xi32, #tpu.memory_space<hbm>>
        tpu.enqueue_dma source(%dma_start3A_200 : memref<80xi32, #tpu.memory_space<hbm>>) target(%dma_start3A_199 : memref<80xi32, #tpu.memory_space<vmem>>) target_semaphore(%arg15 : memref<!tpu.dma_semaphore, #tpu.memory_space<semaphore_mem>>)
      } else {
      }
      %run_scoped3A_171 = arith.constant 1 : i32
      %run_scoped3A_172 = arith.constant 1 : i32
      "tpu.region"() ({
        %run_scoped3A_173 = tpu.sem_alloc : memref<!tpu.dma_semaphore, #tpu.memory_space<semaphore_mem>>
        %dma_start3A_174 = arith.constant 0 : i32
        %dma_start3A_175 = arith.constant 0 : i32
        %dma_start3A_176 = tpu.memref_slice %arg10[%run_scoped3A_171, %dma_start3A_174, %dma_start3A_175] : memref<2x80x128xf32, #tpu.memory_space<vmem>> -> memref<1x80x128xf32, #tpu.memory_space<vmem>>
        %dma_start3A_177 = tpu.memref_squeeze %dma_start3A_176 : memref<1x80x128xf32, #tpu.memory_space<vmem>> -> memref<80x128xf32, #tpu.memory_space<vmem>>
        %dma_start3A_178 = arith.constant 0 : i32
        %dma_start3A_179 = tpu.memref_slice %arg11[%run_scoped3A_172, %dma_start3A_178] : memref<2x80xi32, #tpu.memory_space<vmem>> -> memref<1x80xi32, #tpu.memory_space<vmem>>
        %dma_start3A_180 = tpu.memref_squeeze %dma_start3A_179 : memref<1x80xi32, #tpu.memory_space<vmem>> -> memref<80xi32, #tpu.memory_space<vmem>>
        %dma_start3A_181 = arith.constant 0 : i32
        %dma_start3A_182 = arith.constant 0 : i32
        %dma_start3A_183 = tpu.memref_slice %arg14[%dma_start3A_181, %dma_start3A_182] : memref<256x128xf32, #tpu.memory_space<vmem_shared>> -> memref<256x128xf32, #tpu.memory_space<vmem_shared>>
        tpu.enqueue_indirect_dma source(%dma_start3A_177 : memref<80x128xf32, #tpu.memory_space<vmem>>) target(%dma_start3A_183 : memref<256x128xf32, #tpu.memory_space<vmem_shared>>) offsets(%dma_start3A_180 : memref<80xi32, #tpu.memory_space<vmem>>) semaphore(%run_scoped3A_173 : memref<!tpu.dma_semaphore, #tpu.memory_space<semaphore_mem>>) {add = true}
        %dma_wait3A_184 = arith.constant 0 : i32
        %dma_wait3A_185 = arith.constant 0 : i32
        %dma_wait3A_186 = tpu.memref_slice %arg10[%run_scoped3A_171, %dma_wait3A_184, %dma_wait3A_185] : memref<2x80x128xf32, #tpu.memory_space<vmem>> -> memref<1x80x128xf32, #tpu.memory_space<vmem>>
        %dma_wait3A_187 = tpu.memref_squeeze %dma_wait3A_186 : memref<1x80x128xf32, #tpu.memory_space<vmem>> -> memref<80x128xf32, #tpu.memory_space<vmem>>
        %dma_wait3A_188 = arith.constant 0 : i32
        %dma_wait3A_189 = tpu.memref_slice %arg11[%run_scoped3A_172, %dma_wait3A_188] : memref<2x80xi32, #tpu.memory_space<vmem>> -> memref<1x80xi32, #tpu.memory_space<vmem>>
        %dma_wait3A_190 = tpu.memref_squeeze %dma_wait3A_189 : memref<1x80xi32, #tpu.memory_space<vmem>> -> memref<80xi32, #tpu.memory_space<vmem>>
        %dma_wait3A_191 = arith.constant 0 : i32
        %dma_wait3A_192 = arith.constant 0 : i32
        %dma_wait3A_193 = tpu.memref_slice %arg14[%dma_wait3A_191, %dma_wait3A_192] : memref<256x128xf32, #tpu.memory_space<vmem_shared>> -> memref<256x128xf32, #tpu.memory_space<vmem_shared>>
        tpu.wait_indirect_dma semaphore(%run_scoped3A_173 : memref<!tpu.dma_semaphore, #tpu.memory_space<semaphore_mem>>) src(%dma_wait3A_187 : memref<80x128xf32, #tpu.memory_space<vmem>>) dst(%dma_wait3A_193 : memref<256x128xf32, #tpu.memory_space<vmem_shared>>)
        tpu.yield
      }) : () -> ()
    }
    %scan3A_84 = arith.constant 125 : i32
    %barrier3A_85 = arith.constant 0 : index
    tpu.barrier barrier_id(%barrier3A_85)
    %run_scoped3A = arith.constant 0 : i32
    "tpu.region"() ({
      %run_scoped3A_88 = tpu.sem_alloc : memref<!tpu.dma_semaphore, #tpu.memory_space<semaphore_mem>>
      %dma_start3A_89 = arith.constant 0 : i32
      %dma_start3A_90 = tpu.memref_slice %arg9[%run_scoped3A, %multiple_of3A, %dma_start3A_89] : memref<3x256x128xf32, #tpu.memory_space<hbm>> -> memref<1x16x128xf32, #tpu.memory_space<hbm>>
      %dma_start3A_91 = tpu.memref_squeeze %dma_start3A_90 : memref<1x16x128xf32, #tpu.memory_space<hbm>> -> memref<16x128xf32, #tpu.memory_space<hbm>>
      %dma_start3A_92 = arith.constant 0 : i32
      %dma_start3A_93 = tpu.memref_slice %arg12[%multiple_of3A, %dma_start3A_92] : memref<256x128xf32, #tpu.memory_space<vmem_shared>> -> memref<16x128xf32, #tpu.memory_space<vmem_shared>>
      tpu.enqueue_dma source(%dma_start3A_93 : memref<16x128xf32, #tpu.memory_space<vmem_shared>>) target(%dma_start3A_91 : memref<16x128xf32, #tpu.memory_space<hbm>>) target_semaphore(%run_scoped3A_88 : memref<!tpu.dma_semaphore, #tpu.memory_space<semaphore_mem>>)
      %dma_wait3A = arith.constant 0 : i32
      %dma_wait3A_94 = tpu.memref_slice %arg9[%run_scoped3A, %multiple_of3A, %dma_wait3A] : memref<3x256x128xf32, #tpu.memory_space<hbm>> -> memref<1x16x128xf32, #tpu.memory_space<hbm>>
      %dma_wait3A_95 = tpu.memref_squeeze %dma_wait3A_94 : memref<1x16x128xf32, #tpu.memory_space<hbm>> -> memref<16x128xf32, #tpu.memory_space<hbm>>
      %dma_wait3A_96 = arith.constant 0 : i32
      %dma_wait3A_97 = tpu.memref_slice %arg12[%multiple_of3A, %dma_wait3A_96] : memref<256x128xf32, #tpu.memory_space<vmem_shared>> -> memref<16x128xf32, #tpu.memory_space<vmem_shared>>
      tpu.wait_dma2 semaphore(%run_scoped3A_88 : memref<!tpu.dma_semaphore, #tpu.memory_space<semaphore_mem>>) src(%dma_wait3A_97 : memref<16x128xf32, #tpu.memory_space<vmem_shared>>) dst(%dma_wait3A_95 : memref<16x128xf32, #tpu.memory_space<hbm>>)
      tpu.yield
    }) : () -> ()
    %run_scoped3A_86 = arith.constant 1 : i32
    "tpu.region"() ({
      %run_scoped3A_88 = tpu.sem_alloc : memref<!tpu.dma_semaphore, #tpu.memory_space<semaphore_mem>>
      %dma_start3A_89 = arith.constant 0 : i32
      %dma_start3A_90 = tpu.memref_slice %arg9[%run_scoped3A_86, %multiple_of3A, %dma_start3A_89] : memref<3x256x128xf32, #tpu.memory_space<hbm>> -> memref<1x16x128xf32, #tpu.memory_space<hbm>>
      %dma_start3A_91 = tpu.memref_squeeze %dma_start3A_90 : memref<1x16x128xf32, #tpu.memory_space<hbm>> -> memref<16x128xf32, #tpu.memory_space<hbm>>
      %dma_start3A_92 = arith.constant 0 : i32
      %dma_start3A_93 = tpu.memref_slice %arg13[%multiple_of3A, %dma_start3A_92] : memref<256x128xf32, #tpu.memory_space<vmem_shared>> -> memref<16x128xf32, #tpu.memory_space<vmem_shared>>
      tpu.enqueue_dma source(%dma_start3A_93 : memref<16x128xf32, #tpu.memory_space<vmem_shared>>) target(%dma_start3A_91 : memref<16x128xf32, #tpu.memory_space<hbm>>) target_semaphore(%run_scoped3A_88 : memref<!tpu.dma_semaphore, #tpu.memory_space<semaphore_mem>>)
      %dma_wait3A = arith.constant 0 : i32
      %dma_wait3A_94 = tpu.memref_slice %arg9[%run_scoped3A_86, %multiple_of3A, %dma_wait3A] : memref<3x256x128xf32, #tpu.memory_space<hbm>> -> memref<1x16x128xf32, #tpu.memory_space<hbm>>
      %dma_wait3A_95 = tpu.memref_squeeze %dma_wait3A_94 : memref<1x16x128xf32, #tpu.memory_space<hbm>> -> memref<16x128xf32, #tpu.memory_space<hbm>>
      %dma_wait3A_96 = arith.constant 0 : i32
      %dma_wait3A_97 = tpu.memref_slice %arg13[%multiple_of3A, %dma_wait3A_96] : memref<256x128xf32, #tpu.memory_space<vmem_shared>> -> memref<16x128xf32, #tpu.memory_space<vmem_shared>>
      tpu.wait_dma2 semaphore(%run_scoped3A_88 : memref<!tpu.dma_semaphore, #tpu.memory_space<semaphore_mem>>) src(%dma_wait3A_97 : memref<16x128xf32, #tpu.memory_space<vmem_shared>>) dst(%dma_wait3A_95 : memref<16x128xf32, #tpu.memory_space<hbm>>)
      tpu.yield
    }) : () -> ()
    %run_scoped3A_87 = arith.constant 2 : i32
    "tpu.region"() ({
      %run_scoped3A_88 = tpu.sem_alloc : memref<!tpu.dma_semaphore, #tpu.memory_space<semaphore_mem>>
      %dma_start3A_89 = arith.constant 0 : i32
      %dma_start3A_90 = tpu.memref_slice %arg9[%run_scoped3A_87, %multiple_of3A, %dma_start3A_89] : memref<3x256x128xf32, #tpu.memory_space<hbm>> -> memref<1x16x128xf32, #tpu.memory_space<hbm>>
      %dma_start3A_91 = tpu.memref_squeeze %dma_start3A_90 : memref<1x16x128xf32, #tpu.memory_space<hbm>> -> memref<16x128xf32, #tpu.memory_space<hbm>>
      %dma_start3A_92 = arith.constant 0 : i32
      %dma_start3A_93 = tpu.memref_slice %arg14[%multiple_of3A, %dma_start3A_92] : memref<256x128xf32, #tpu.memory_space<vmem_shared>> -> memref<16x128xf32, #tpu.memory_space<vmem_shared>>
      tpu.enqueue_dma source(%dma_start3A_93 : memref<16x128xf32, #tpu.memory_space<vmem_shared>>) target(%dma_start3A_91 : memref<16x128xf32, #tpu.memory_space<hbm>>) target_semaphore(%run_scoped3A_88 : memref<!tpu.dma_semaphore, #tpu.memory_space<semaphore_mem>>)
      %dma_wait3A = arith.constant 0 : i32
      %dma_wait3A_94 = tpu.memref_slice %arg9[%run_scoped3A_87, %multiple_of3A, %dma_wait3A] : memref<3x256x128xf32, #tpu.memory_space<hbm>> -> memref<1x16x128xf32, #tpu.memory_space<hbm>>
      %dma_wait3A_95 = tpu.memref_squeeze %dma_wait3A_94 : memref<1x16x128xf32, #tpu.memory_space<hbm>> -> memref<16x128xf32, #tpu.memory_space<hbm>>
      %dma_wait3A_96 = arith.constant 0 : i32
      %dma_wait3A_97 = tpu.memref_slice %arg14[%multiple_of3A, %dma_wait3A_96] : memref<256x128xf32, #tpu.memory_space<vmem_shared>> -> memref<16x128xf32, #tpu.memory_space<vmem_shared>>
      tpu.wait_dma2 semaphore(%run_scoped3A_88 : memref<!tpu.dma_semaphore, #tpu.memory_space<semaphore_mem>>) src(%dma_wait3A_97 : memref<16x128xf32, #tpu.memory_space<vmem_shared>>) dst(%dma_wait3A_95 : memref<16x128xf32, #tpu.memory_space<hbm>>)
      tpu.yield
    }) : () -> ()
    return
  }
}

module attributes {stable_mosaic.version = 14 : i64} {
  func.func @_hist_tc(%arg0: i32, %arg1: i32, %arg2: memref<1x2048x1xi32, #tpu.memory_space<vmem>>, %arg3: memref<1x1x256xf32, #tpu.memory_space<vmem>>) attributes {dimension_semantics = [#tpu.dimension_semantics<arbitrary>, #tpu.dimension_semantics<arbitrary>], iteration_bounds = array<i64: 3, 157>, scalar_prefetch = 0 : i64, scratch_operands = 0 : i64, tpu.core_type = #tpu.core_type<tc>, window_params = [{transform_indices = @transform_0, window_bounds = array<i64: 1, 2048, 1>}, {transform_indices = @transform_1, window_bounds = array<i64: 1, 1, 256>}]} {
    %eq3A = arith.constant 0 : i32
    %eq3A_0 = arith.cmpi eq, %arg1, %eq3A : i32
    %convert_element_type3A = arith.extui %eq3A_0 : i1 to i32
    %cond3A = arith.constant 0 : i32
    %cond3A_1 = arith.cmpi ne, %convert_element_type3A, %cond3A : i32
    scf.if %cond3A_1 {
      %broadcast_in_dim3A_22 = arith.constant 0.000000e+00 : f32
      %broadcast_in_dim3A_23 = vector.broadcast %broadcast_in_dim3A_22 : f32 to vector<1x1x256xf32>
      %swap3A_24 = arith.constant 0 : index
      %swap3A_25 = arith.constant 0 : index
      %swap3A_26 = arith.constant 0 : index
      %swap3A_27 = vector.load %arg3[%swap3A_24, %swap3A_25, %swap3A_26] : memref<1x1x256xf32, #tpu.memory_space<vmem>>, vector<1x1x256xf32>
      tpu.vector_store %arg3[%swap3A_24, %swap3A_25, %swap3A_26], %broadcast_in_dim3A_23 {strides = array<i32>} : memref<1x1x256xf32, #tpu.memory_space<vmem>>, vector<1x1x256xf32>,
    } else {
    }
    %get3A = arith.constant 0 : index
    %get3A_2 = arith.constant 0 : index
    %get3A_3 = arith.constant 0 : index
    %get3A_4 = vector.load %arg2[%get3A, %get3A_2, %get3A_3] : memref<1x2048x1xi32, #tpu.memory_space<vmem>>, vector<1x2048x1xi32>
    %get3A_5 = vector.shape_cast %get3A_4 : vector<1x2048x1xi32> to vector<2048x1xi32>
    %iota3A = tpu.iota {dimensions = array<i32: 1>} : vector<1x256xi32>
    %eq3A_6 = vector.broadcast %get3A_5 : vector<2048x1xi32> to vector<2048x256xi32>
    %eq3A_7 = vector.broadcast %iota3A : vector<1x256xi32> to vector<2048x256xi32>
    %eq3A_8 = arith.cmpi eq, %eq3A_6, %eq3A_7 : vector<2048x256xi32>
    %convert_element_type3A_9 = arith.extui %eq3A_8 : vector<2048x256xi1> to vector<2048x256xi32>
    %convert_element_type3A_10 = arith.sitofp %convert_element_type3A_9 : vector<2048x256xi32> to vector<2048x256xf32>
    %get3A_11 = arith.constant 0 : index
    %get3A_12 = arith.constant 0 : index
    %get3A_13 = arith.constant 0 : index
    %get3A_14 = vector.load %arg3[%get3A_11, %get3A_12, %get3A_13] : memref<1x1x256xf32, #tpu.memory_space<vmem>>, vector<1x1x256xf32>
    %get3A_15 = vector.shape_cast %get3A_14 : vector<1x1x256xf32> to vector<1x256xf32>
    %reduce_sum3A = arith.constant dense<0.000000e+00> : vector<256xf32>
    %reduce_sum3A_16 = vector.multi_reduction <add>, %convert_element_type3A_10, %reduce_sum3A [0] : vector<2048x256xf32> to vector<256xf32>
    %broadcast_in_dim3A = vector.shape_cast %reduce_sum3A_16 : vector<256xf32> to vector<1x256xf32>
    %add3A = arith.addf %get3A_15, %broadcast_in_dim3A : vector<1x256xf32>
    %swap3A = arith.constant 0 : index
    %swap3A_17 = arith.constant 0 : index
    %swap3A_18 = arith.constant 0 : index
    %swap3A_19 = vector.load %arg3[%swap3A, %swap3A_17, %swap3A_18] : memref<1x1x256xf32, #tpu.memory_space<vmem>>, vector<1x1x256xf32>
    %swap3A_20 = vector.shape_cast %swap3A_19 : vector<1x1x256xf32> to vector<1x256xf32>
    %swap3A_21 = vector.shape_cast %add3A : vector<1x256xf32> to vector<1x1x256xf32>
    tpu.vector_store %arg3[%swap3A, %swap3A_17, %swap3A_18], %swap3A_21 {strides = array<i32>} : memref<1x1x256xf32, #tpu.memory_space<vmem>>, vector<1x1x256xf32>,
    return
  }
  func.func @transform_0(%arg0: i32, %arg1: i32) -> (i32, i32, i32) {
    %c0_i32 = arith.constant 0 : i32
    %c0_i32_0 = arith.constant 0 : i32
    return %arg0, %arg1, %c0_i32 : i32, i32, i32
  }
  func.func @transform_1(%arg0: i32, %arg1: i32) -> (i32, i32, i32) {
    %c0_i32 = arith.constant 0 : i32
    %c0_i32_0 = arith.constant 0 : i32
    %c0_i32_1 = arith.constant 0 : i32
    return %arg0, %c0_i32, %c0_i32_0 : i32, i32, i32
  }
}

module attributes {stable_mosaic.version = 14 : i64} {
  func.func @_mlp_tc(%arg0: memref<768x128xf32, #tpu.memory_space<vmem>>, %arg1: memref<768x1xf32, #tpu.memory_space<vmem>>, %arg2: memref<384x128xf32, #tpu.memory_space<vmem>>, %arg3: memref<1x128xf32, #tpu.memory_space<vmem>>, %arg4: memref<128x64xf32, #tpu.memory_space<vmem>>, %arg5: memref<1x64xf32, #tpu.memory_space<vmem>>, %arg6: memref<64x128xf32, #tpu.memory_space<vmem>>, %arg7: memref<1x128xf32, #tpu.memory_space<vmem>>, %arg8: memref<256x128xf32, #tpu.memory_space<vmem>>) attributes {dimension_semantics = [], scalar_prefetch = 0 : i64, scratch_operands = 0 : i64, tpu.core_type = #tpu.core_type<tc>} {
    %get3A = arith.constant 0 : index
    %get3A_0 = arith.constant 0 : index
    %get3A_1 = vector.load %arg1[%get3A, %get3A_0] : memref<768x1xf32, #tpu.memory_space<vmem>>, vector<768x1xf32>
    %max3A = arith.constant 1.000000e+00 : f32
    %max3A_2 = vector.broadcast %max3A : f32 to vector<768x1xf32>
    %max3A_3 = arith.maximumf %get3A_1, %max3A_2 : vector<768x1xf32>
    %get3A_4 = arith.constant 0 : index
    %get3A_5 = arith.constant 0 : index
    %get3A_6 = vector.load %arg0[%get3A_4, %get3A_5] : memref<768x128xf32, #tpu.memory_space<vmem>>, vector<768x128xf32>
    %div3A = vector.broadcast %max3A_3 : vector<768x1xf32> to vector<768x128xf32>
    %div3A_7 = arith.divf %get3A_6, %div3A : vector<768x128xf32>
    %slice3A = vector.extract_strided_slice %div3A_7 {offsets = [0, 0], sizes = [256, 128], strides = [1, 1]} : vector<768x128xf32> to vector<256x128xf32>
    %get3A_8 = arith.constant 0 : index
    %get3A_9 = arith.constant 0 : index
    %get3A_10 = vector.load %arg2[%get3A_8, %get3A_9] : memref<384x128xf32, #tpu.memory_space<vmem>>, vector<128x128xf32>
    %dot_general3A = arith.constant dense<0.000000e+00> : vector<256x128xf32>
    %dot_general3A_11 = tpu.matmul %slice3A, %get3A_10, %dot_general3A {dimension_numbers = #tpu.dot_dimension_numbers<[1], [0], [0], [1], [0, 0, 1, 1], [], []>, transpose_lhs_hint = false} : vector<256x128xf32>, vector<128x128xf32>, vector<256x128xf32> -> vector<256x128xf32>
    %slice3A_12 = vector.extract_strided_slice %div3A_7 {offsets = [256, 0], sizes = [256, 128], strides = [1, 1]} : vector<768x128xf32> to vector<256x128xf32>
    %get3A_13 = arith.constant 128 : index
    %get3A_14 = arith.constant 0 : index
    %get3A_15 = vector.load %arg2[%get3A_13, %get3A_14] : memref<384x128xf32, #tpu.memory_space<vmem>>, vector<128x128xf32>
    %dot_general3A_16 = arith.constant dense<0.000000e+00> : vector<256x128xf32>
    %dot_general3A_17 = tpu.matmul %slice3A_12, %get3A_15, %dot_general3A_16 {dimension_numbers = #tpu.dot_dimension_numbers<[1], [0], [0], [1], [0, 0, 1, 1], [], []>, transpose_lhs_hint = false} : vector<256x128xf32>, vector<128x128xf32>, vector<256x128xf32> -> vector<256x128xf32>
    %add3A = arith.addf %dot_general3A_11, %dot_general3A_17 : vector<256x128xf32>
    %slice3A_18 = vector.extract_strided_slice %div3A_7 {offsets = [512, 0], sizes = [256, 128], strides = [1, 1]} : vector<768x128xf32> to vector<256x128xf32>
    %get3A_19 = arith.constant 256 : index
    %get3A_20 = arith.constant 0 : index
    %get3A_21 = vector.load %arg2[%get3A_19, %get3A_20] : memref<384x128xf32, #tpu.memory_space<vmem>>, vector<128x128xf32>
    %dot_general3A_22 = arith.constant dense<0.000000e+00> : vector<256x128xf32>
    %dot_general3A_23 = tpu.matmul %slice3A_18, %get3A_21, %dot_general3A_22 {dimension_numbers = #tpu.dot_dimension_numbers<[1], [0], [0], [1], [0, 0, 1, 1], [], []>, transpose_lhs_hint = false} : vector<256x128xf32>, vector<128x128xf32>, vector<256x128xf32> -> vector<256x128xf32>
    %add3A_24 = arith.addf %add3A, %dot_general3A_23 : vector<256x128xf32>
    %get3A_25 = arith.constant 0 : index
    %get3A_26 = arith.constant 0 : index
    %get3A_27 = vector.load %arg3[%get3A_25, %get3A_26] : memref<1x128xf32, #tpu.memory_space<vmem>>, vector<1x128xf32>
    %get3A_28 = vector.shape_cast %get3A_27 : vector<1x128xf32> to vector<128xf32>
    %broadcast_in_dim3A = vector.shape_cast %get3A_28 : vector<128xf32> to vector<1x128xf32>
    %add3A_29 = vector.broadcast %broadcast_in_dim3A : vector<1x128xf32> to vector<256x128xf32>
    %add3A_30 = arith.addf %add3A_24, %add3A_29 : vector<256x128xf32>
    %max3A_31 = arith.constant 0.000000e+00 : f32
    %max3A_32 = vector.broadcast %max3A_31 : f32 to vector<256x128xf32>
    %max3A_33 = arith.maximumf %add3A_30, %max3A_32 : vector<256x128xf32>
    %get3A_34 = arith.constant 0 : index
    %get3A_35 = arith.constant 0 : index
    %get3A_36 = vector.load %arg4[%get3A_34, %get3A_35] : memref<128x64xf32, #tpu.memory_space<vmem>>, vector<128x64xf32>
    %dot_general3A_37 = arith.constant dense<0.000000e+00> : vector<256x64xf32>
    %dot_general3A_38 = tpu.matmul %max3A_33, %get3A_36, %dot_general3A_37 {dimension_numbers = #tpu.dot_dimension_numbers<[1], [0], [0], [1], [0, 0, 1, 1], [], []>, transpose_lhs_hint = false} : vector<256x128xf32>, vector<128x64xf32>, vector<256x64xf32> -> vector<256x64xf32>
    %get3A_39 = arith.constant 0 : index
    %get3A_40 = arith.constant 0 : index
    %get3A_41 = vector.load %arg5[%get3A_39, %get3A_40] : memref<1x64xf32, #tpu.memory_space<vmem>>, vector<1x64xf32>
    %get3A_42 = vector.shape_cast %get3A_41 : vector<1x64xf32> to vector<64xf32>
    %broadcast_in_dim3A_43 = vector.shape_cast %get3A_42 : vector<64xf32> to vector<1x64xf32>
    %add3A_44 = vector.broadcast %broadcast_in_dim3A_43 : vector<1x64xf32> to vector<256x64xf32>
    %add3A_45 = arith.addf %dot_general3A_38, %add3A_44 : vector<256x64xf32>
    %max3A_46 = arith.constant 0.000000e+00 : f32
    %max3A_47 = vector.broadcast %max3A_46 : f32 to vector<256x64xf32>
    %max3A_48 = arith.maximumf %add3A_45, %max3A_47 : vector<256x64xf32>
    %get3A_49 = arith.constant 0 : index
    %get3A_50 = arith.constant 0 : index
    %get3A_51 = vector.load %arg6[%get3A_49, %get3A_50] : memref<64x128xf32, #tpu.memory_space<vmem>>, vector<64x128xf32>
    %dot_general3A_52 = arith.constant dense<0.000000e+00> : vector<256x128xf32>
    %dot_general3A_53 = tpu.matmul %max3A_48, %get3A_51, %dot_general3A_52 {dimension_numbers = #tpu.dot_dimension_numbers<[1], [0], [0], [1], [0, 0, 1, 1], [], []>, transpose_lhs_hint = false} : vector<256x64xf32>, vector<64x128xf32>, vector<256x128xf32> -> vector<256x128xf32>
    %get3A_54 = arith.constant 0 : index
    %get3A_55 = arith.constant 0 : index
    %get3A_56 = vector.load %arg7[%get3A_54, %get3A_55] : memref<1x128xf32, #tpu.memory_space<vmem>>, vector<1x128xf32>
    %get3A_57 = vector.shape_cast %get3A_56 : vector<1x128xf32> to vector<128xf32>
    %broadcast_in_dim3A_58 = vector.shape_cast %get3A_57 : vector<128xf32> to vector<1x128xf32>
    %add3A_59 = vector.broadcast %broadcast_in_dim3A_58 : vector<1x128xf32> to vector<256x128xf32>
    %add3A_60 = arith.addf %dot_general3A_53, %add3A_59 : vector<256x128xf32>
    %swap3A = arith.constant 0 : index
    %swap3A_61 = arith.constant 0 : index
    %swap3A_62 = vector.load %arg8[%swap3A, %swap3A_61] : memref<256x128xf32, #tpu.memory_space<vmem>>, vector<256x128xf32>
    tpu.vector_store %arg8[%swap3A, %swap3A_61], %add3A_60 {strides = array<i32>} : memref<256x128xf32, #tpu.memory_space<vmem>>, vector<256x128xf32>,
    return
  }
}

</mosaic_0001>

<sc_bundles>
// kernel: kernel.5.cloned.1.call-start
scs
__scs_entry_jumppad:
0x0: {  	(pc) =	sbr.rel $0x88, $3  }
0x1: {  	(tag) =	ssettag $0x0;
	lr =	simm.s32 $0x1  }
0x2: {  	[smem:$0x3F95] =	sst lr;
	_ =	strace $0xD0000000  }
0x3: {  	_ = 	snop  }
0x4: {  	_ = 	snop  }
0x5: {  	_ = 	snop  }
0x6: {  	_ = 	snop  }
0x7: {  	_ = 	snop  }
__scs_overlays_trampoline_lowered:
0x8: {  	[smem:$0x3FA4] =	sst s0  }
0x9: {  	[smem:$0x3FA5] =	sst s1  }
0xa: {  	[smem:$0x3FA6] =	sst s2  }
0xb: {  	[smem:$0x3FA7] =	sst s3  }
0xc: {  	[smem:$0x3FA8] =	sst s4  }
0xd: {  	[smem:$0x3FA9] =	sst s5  }
0xe: {  	[smem:$0x3FAA] =	sst s6  }
0xf: {  	[smem:$0x3FAB] =	sst s7  }
0x10: {  	[smem:$0x3FAC] =	sst s8  }
0x11: {  	[smem:$0x3FAD] =	sst s9;
	s0 =	simm.s32 @!p0 $0x0  }
0x12: {  	s1 =	sld [smem:$0x3F93];
	s0 =	simm.s32 @p0 $0x1  }
0x13: {  	[smem:$0x3FAE] =	sst s0;
	s0 =	simm.s32 @!p1 $0x0  }
0x14: {  	s2 =	sld [smem:$0x3F92];
	s0 =	simm.s32 @p1 $0x1  }
0x15: {  	[smem:$0x3FAF] =	sst s0;
	s0 =	simm.s32 @!p2 $0x0  }
0x16: {  	s3 =	sld [smem:$0x3FDB];
	s0 =	simm.s32 @p2 $0x1  }
0x17: {  	s4 =	simm.s32 $0x1BF5;
	[smem:$0x3FB1] =	sst s0  }
0x18: {  	s0 =	sld [smem:$0x3F94];
	_ =	swait.ge [sflag:s4], $0x0  }
0x19: {  	s7 =	sld [smem:$0x3F95]  }
0x1a: {  	s8 =	sadd.s32 $0xFFFFE003, lr  }
0x1b: {  	s9 =	sadd.s32 $0xFFFFFEF7, lr;
	s5 =	simm.s32 $0xFFFFFFFF;
	p2 =	slt.u32 s8, $0xFFFFF086  }
0x1c: {  	p1 =	slt.u32 s9, $0xF7A;
	s5 =	simm.s32 @!p2 $0x0  }
0x1d: {  	s5 =	simm.s32 @p1 $0x1;
	p0 =	seq.s32 s7, s2  }
0x1e: {  	s7 =	smul.u32 @!p0 $0xF7A, s2;
	p2 =	seq.s32 @!p0 s5, $0x0  }
0x1f: {  	s9 =	smul.u32 $0xF7A, s1;
	s8 =	simm.s32 @!p0 $0x1BF5;
	p2 =	por !p2, p0  }
0x20: {  	[sflag:s8] =	ssyncset.s32 @!p0 $0xFFFFF086;
	s6 =	sadd.s32 @!p0 s3, s7;
	s7 =	simm.s32 @!p0 $0x108  }
0x21: {  	s3 =	sadd.s32 s3, s9;
	s6 =	sadd.s32 @!p0 $0x88, s6;
	s7 =	simm.s32 @p2 $0x1082  }
0x22: {  	[simem:s7], [sflag:s8] =	dma.local @!p0 [hbm:s6], $0xF7A  }
0x23: {  	s9 =	sor.u32 $0xD0000000, s2;
	s6 =	simm.s32 $0x108;
	_ =	swait.ge @!p0 [sflag:s8], $0x0  }
0x24: {  	s3 =	sadd.s32 $0x88, s3;
	s6 =	simm.s32 @!p1 $0x1082;
	[sflag:s4] =	ssyncset.s32 $0xFFFFF086  }
0x25: {  	[simem:s6], [sflag:s4] =	dma.local [hbm:s3], $0xF7A  }
0x26: {  	[smem:$0x3F95] =	sst s1;
	(tag) =	ssettag s2;
	_ =	strace s9  }
0x27: {  	s1 =	sld [smem:$0x3FA5]  }
0x28: {  	s2 =	sld [smem:$0x3FA6]  }
0x29: {  	s4 =	sld [smem:$0x3FA8]  }
0x2a: {  	p0 =	seq.s32 s5, $0x0;
	s5 =	sld [smem:$0x3FA9]  }
0x2b: {  	s6 =	sld [smem:$0x3FAA]  }
0x2c: {  	s7 =	sld [smem:$0x3FAB]  }
0x2d: {  	s3 =	simm.s32 $0x108;
	s8 =	sld [smem:$0x3FAC]  }
0x2e: {  	s3 =	simm.s32 @!p0 $0x1082;
	s9 =	sld [smem:$0x3FAD]  }
0x2f: {  	lr =	sadd.s32 s0, s3;
	s0 =	sld [smem:$0x3FA4]  }
0x30: {  	s3 =	sld [smem:$0x3FA7]  }
0x31: {  	[smem:$0x3FB0] =	sst s10  }
0x32: {  	s10 =	sld [smem:$0x3FAE];
	_ =	sdelay $0x3  }
0x33: {  	p0 =	seq.s32 s10, $0x1;
	s10 =	sld [smem:$0x3FB0];
	_ =	sdelay $0x3  }
0x34: {  	[smem:$0x3FB0] =	sst s10  }
0x35: {  	s10 =	sld [smem:$0x3FAF];
	_ =	sdelay $0x3  }
0x36: {  	p1 =	seq.s32 s10, $0x1;
	s10 =	sld [smem:$0x3FB0];
	_ =	sdelay $0x3  }
0x37: {  	[smem:$0x3FB0] =	sst s10  }
0x38: {  	s10 =	sld [smem:$0x3FB1]  }
0x39: {  	_ = 	snop;
	(pc) =	sbr.ind lr, $3  }
0x3a: {  	_ = 	snop  }
0x3b: {  	_ = 	snop  }
0x3c: {  	p2 =	seq.s32 s10, $0x1;
	s10 =	sld [smem:$0x3FB0]  }
0x3d: {  	_ =	shalt  }
0x3e: {  	_ =	shalt  }
0x3f: {  	_ =	shalt  }
0x40: {  	_ =	shalt  }
0x41: {  	_ =	shalt  }
0x42: {  	_ =	shalt  }
0x43: {  	_ =	shalt  }
0x44: {  	_ =	shalt  }
0x45: {  	_ =	shalt  }
0x46: {  	_ =	shalt  }
0x47: {  	_ =	shalt  }
0x48: {  	_ =	shalt  }
0x49: {  	_ =	shalt  }
0x4a: {  	_ =	shalt  }
0x4b: {  	_ =	shalt  }
0x4c: {  	_ =	shalt  }
0x4d: {  	_ =	shalt  }
0x4e: {  	_ =	shalt  }
0x4f: {  	_ =	shalt  }
0x50: {  	_ =	shalt  }
0x51: {  	_ =	shalt  }
0x52: {  	_ =	shalt  }
0x53: {  	_ =	shalt  }
0x54: {  	_ =	shalt  }
0x55: {  	_ =	shalt  }
0x56: {  	_ =	shalt  }
0x57: {  	_ =	shalt  }
0x58: {  	_ =	shalt  }
0x59: {  	_ =	shalt  }
0x5a: {  	_ =	shalt  }
0x5b: {  	_ =	shalt  }
0x5c: {  	_ =	shalt  }
0x5d: {  	_ =	shalt  }
0x5e: {  	_ =	shalt  }
0x5f: {  	_ =	shalt  }
0x60: {  	_ =	shalt  }
0x61: {  	_ =	shalt  }
0x62: {  	_ =	shalt  }
0x63: {  	_ =	shalt  }
0x64: {  	_ =	shalt  }
0x65: {  	_ =	shalt  }
0x66: {  	_ =	shalt  }
0x67: {  	_ =	shalt  }
0x68: {  	_ =	shalt  }
0x69: {  	_ =	shalt  }
0x6a: {  	_ =	shalt  }
0x6b: {  	_ =	shalt  }
0x6c: {  	_ =	shalt  }
0x6d: {  	_ =	shalt  }
0x6e: {  	_ =	shalt  }
0x6f: {  	_ =	shalt  }
0x70: {  	_ =	shalt  }
0x71: {  	_ =	shalt  }
0x72: {  	_ =	shalt  }
0x73: {  	_ =	shalt  }
0x74: {  	_ =	shalt  }
0x75: {  	_ =	shalt  }
0x76: {  	_ =	shalt  }
0x77: {  	_ =	shalt  }
0x78: {  	_ =	shalt  }
0x79: {  	_ =	shalt  }
0x7a: {  	_ =	shalt  }
0x7b: {  	_ =	shalt  }
0x7c: {  	_ =	shalt  }
0x7d: {  	_ =	shalt  }
0x7e: {  	_ =	shalt  }
0x7f: {  	_ =	shalt  }
0x80: {  	_ =	shalt  }
0x81: {  	_ =	shalt  }
0x82: {  	_ =	shalt  }
0x83: {  	_ =	shalt  }
0x84: {  	_ =	shalt  }
0x85: {  	_ =	shalt  }
0x86: {  	_ =	shalt  }
0x87: {  	_ =	shalt  }
.Lfunc_end0:
.L_simem_size_0:
called_computation_lowered:
.L_overlay_start_0:
0x88: {  	s0 =	sld [smem:$0x3FD9]  }
0x89: {  	s1 =	sld [smem:$0x3FFE];
	_ =	sdelay $0x3  }
0x8a: {  	s0 =	sadd.s32 s1, s0  }
0x8b: {  	[smem:$0x3FBC] =	sst s0  }
0x8c: {  	_ = 	snop  }
0x8d: {  	s0 =	sld [smem:$0x3FC9]  }
0x8e: {  	s16 =	sld [smem:$0x3FC8]  }
0x8f: {  	s2 =	sld [smem:$0x3FC7]  }
0x90: {  	s3 =	sld [smem:$0x3FC6]  }
0x91: {  	s4 =	sld [smem:$0x3FC5]  }
0x92: {  	s5 =	sld [smem:$0x3FC4];
	(tm) =	ssettm $0x1  }
0x93: {  	s6 =	sld [smem:$0x3FFB];
	_ =	sdelay $0x3  }
0x94: {  	_ =	strace s6  }
0x95: {  	s6 =	sld [smem:$0x3FFC];
	_ =	sdelay $0x3  }
0x96: {  	_ =	strace s6  }
0x97: {  	s6 =	sld [smem:$0x3FFD];
	_ =	sdelay $0x3  }
0x98: {  	_ =	strace s6  }
0x99: {  	_ =	strace $0x8FFFFFFF  }
0x9a: {  	s17 =	sld [smem:$0x3FDB];
	_ =	sdelay $0x1  }
0x9b: {  	s7 =	simm.s32 $_scs_section_size  }
0x9c: {  	s8 =	simm.s32 $_size__tile_overlayer_lowered;
	s9 =	simm.s32 $_tile_overlayer_lowered  }
0x9d: {  	s20 =	simm.s32 $0x1BFF;
	s19 =	sshll.u32 s9, $0x1;
	s6 =	sadd.s32 s7, s17  }
0x9e: {  	s10 =	simm.s32 $0x0;
	s18 =	sshll.u32 s8, $0x1;
	s8 =	sadd.s32 s19, s6  }
0x9f: {  	[timem:s10], [sflag:s20] =	dma.local [hbm:s8], s18  }
0xa0: {  	_ =	swait.ge [sflag:s20], s18  }
0xa1: {  	s7 =	ssub.s32 $0x0, s18;
	[sflag:s20] =	ssyncset.done $0x0  }
0xa2: {  	[sflag:s20] =	ssyncadd.s32 s7;
	_ =	sdelay $0x1  }
0xa3: {  	s21 =	simm.s32 $0x1B8B  }
0xa4: {  	_ =	swait.ge [sflag:s21], $0x1  }
0xa5: {  	[sflag:s21] =	ssyncset.done $0x0  }
0xa6: {  	s23 =	simm.s32 $0x1B8E;
	s22 =	sld [smem:$0x3FFE];
	[sflag:s21] =	ssyncadd.s32 $0xFFFFFFFF  }
0xa7: {  	s24 =	simm.s32 $execute0_lowered;
	[smem:$0x3FD2] =	sst s23  }
0xa8: {  	s8 =	sshll.u32 s24, $0x1;
	_ =	strace $0x80000046;
	[dreg:$0x1] =	wrdreg $0xFFFFFFFF  }
0xa9: {  	s25 =	simm.s32 $_size_execute0_lowered;
	s6 =	sadd.s32 s6, s8;
	[dreg:$0x0] =	wrdreg $0x0  }
0xaa: {  	s8 =	sshll.u32 s25, $0x1;
	[dreg:$0x2] =	wrdreg s6  }
0xab: {  	[dreg:$0x3] =	wrdreg s8  }
0xac: {  	[dreg:$0x4] =	wrdreg $0xC0  }
0xad: {  	_ =	task [dreg:s10], $0x5FFFF  }
0xae: {  	[dreg:$0x1] =	wrdreg $0xFFFFFFFF  }
0xaf: {  	[dreg:$0x0] =	wrdreg $0x60  }
0xb0: {  	[dreg:$0x2] =	wrdreg s0  }
0xb1: {  	[dreg:$0x3] =	wrdreg s16  }
0xb2: {  	[dreg:$0x4] =	wrdreg s2  }
0xb3: {  	[dreg:$0x5] =	wrdreg s3  }
0xb4: {  	[dreg:$0x6] =	wrdreg s4  }
0xb5: {  	[dreg:$0x7] =	wrdreg s5  }
0xb6: {  	[dreg:$0x8] =	wrdreg s22  }
0xb7: {  	[dreg:$0x9] =	wrdreg $0x51000  }
0xb8: {  	[dreg:$0xa] =	wrdreg $0x59000  }
0xb9: {  	[dreg:$0xb] =	wrdreg $0x61000  }
0xba: {  	[dreg:$0xc] =	wrdreg $0x9  }
0xbb: {  	_ =	task.clear_ibuf [dreg:s10], $0xDFFFF;
	_ =	strace $0x90000046  }
0xbc: {  	s26 =	simm.s32 $0x9;
	_ =	strace $0x80000048  }
0xbd: {  	_ =	swait.ge [sflag:s26], $0x1  }
0xbe: {  	[sflag:s26] =	ssyncadd.s32 $0xFFFFFFFF  }
0xbf: {  	_ =	strace $0x90000048  }
0xc0: {  	_ =	sfence  }
0xc1: {  	s28 =	sld [smem:$0x0];
	_ =	sdelay $0x1  }
0xc2: {  	s29 =	srdreg.scid  }
0xc3: {  	s30 =	sshll.u32 s29, $0xD;
	s31 =	sshrl.u32 s29, $0x2  }
0xc4: {  	s1 =	sand.u32 $0x1, s29;
	s2 =	sand.u32 $0x4000, s30;
	s0 =	sadd.s32 s31, s28  }
0xc5: {  	s1 =	sor.u32 s2, s1;
	s0 =	sshll.u32 s0, $0x11  }
0xc6: {  	s0 =	sor.u32 s0, s1  }
0xc7: {  	s0 =	sadd.s32 $0x8F2B, s0  }
0xc8: {  	[sflag:s0] =	ssyncadd.remote.s32 $0x1  }
0xc9: {  	_ =	sfence.sel $0xFFFF  }
0xca: {  	[dreg:$0x0] =	wrdreg $0xFFFFFFFF;
	(pc) =	sbr.abs _section_cstart, $3  }
0xcb: {  	[dreg:$0x1] =	wrdreg $0xFFFFFFFF  }
0xcc: {  	_ =	task.clear_ibuf [dreg:s10], $0x2FFFF;
	_ =	strace $0x9FFFFFFF  }
0xcd: {  	(tm) =	ssettm $0x7FFFFFFF  }
tec
execute0_lowered:
.L_overlay_start_1:
0x0: {  	(tag) =	ssettag $0x1  }
0x1: {  	s18 =	rddreg [dreg:$0x0]  }
0x2: {  	s13 =	rddreg [dreg:$0x1]  }
0x3: {  	s20 =	rddreg [dreg:$0x3]  }
0x4: {  	s12 =	rddreg [dreg:$0x4]  }
0x5: {  	s10 =	rddreg [dreg:$0x6]  }
0x6: {  	s19 =	rddreg [dreg:$0x7]  }
0x7: {  	s11 =	rddreg [dreg:$0x8]  }
0x8: {  	s3 =	rddreg [dreg:$0x9];
	s17 =	simm.s32 $0x0  }
0x9: {  	s1 =	stileid.u32;
	s21 =	simm.s32 $0x3;
	[smem:$0x7FF] =	sst s17  }
0xa: {  	s4 =	sshll.u32 s1, $0x8;
	s0 =	sshll.u32 s1, $0xB;
	s6 =	sshll.u32 s1, $0x6  }
0xb: {  	_ =	strace $0x80000047;
	s2 =	sadd.s32 s4, s10;
	s5 =	sadd.s32 s0, s19  }
0xc: {  	s14 =	sadd.s32 $0x1800, s2;
	s2 =	sor.u32 $0x1C03, s6;
	s5 =	sshrl.u32 s5, $0x3  }
0xd: {  	[spmem:s5], [sflag:s2] =	dma.local [hbm:s14], $0x100  }
0xe: {  	_ =	swait.ge [sflag:s21], $0x100  }
0xf: {  	s7 =	sadd.s32 s0, s11;
	[sflag:s21] =	ssyncset.done $0x0  }
0x10: {  	s6 =	sshrl.u32 s7, $0x3;
	[sflag:s21] =	ssyncadd.s32 $0xFFFFFF00  }
0x11: {  	[spmem:s6], [sflag:s2] =	dma.local [hbm:s14], $0x100  }
0x12: {  	_ =	swait.ge [sflag:s21], $0x100  }
0x13: {  	s0 =	sadd.s32 s0, s3;
	[sflag:s21] =	ssyncset.done $0x0  }
0x14: {  	s7 =	sshrl.u32 s0, $0x3;
	[sflag:s21] =	ssyncadd.s32 $0xFFFFFF00  }
0x15: {  	[spmem:s7], [sflag:s2] =	dma.local [hbm:s14], $0x100  }
0x16: {  	s22 =	smul.u32 $0x4E20, s1;
	_ =	swait.ge [sflag:s21], $0x100  }
0x17: {  	s14 =	smul.u32 $0x4E200, s1;
	[sflag:s21] =	ssyncset.done $0x0  }
0x18: {  	[sflag:s21] =	ssyncadd.s32 $0xFFFFFF00  }
0x19: {  	s15 =	sshrl.u32 s22, $0x3;
	s23 =	sadd.s32 s18, s14;
	[bflag:$0x0] =	sbarrier.arrive $0xFFFF  }
0x1a: {  	[tilespmem:s17], [sflag:$0x1] =	stream.linear.gather [hbm4b:s23+s17], $0x2800, $0x38;
	[tilespmem:$0x6900] =	vst v63  }
0x1b: {  	s24 =	simm.s32 $0x5000;
	s25 =	simm.s32 $0x1;
	s8 =	sadd.s32 s20, s15  }
0x1c: {  	[tilespmem:s24], [sflag:$0x1] =	stream.linear.gather [hbm4b:s8+s17], $0x50, $0x38;
	[tilespmem:$0x6900] =	vst v63  }
0x1d: {  	_ =	swait.ge [sflag:s25], $0x2800  }
0x1e: {  	[sflag:s25] =	ssyncset.done $0x0  }
0x1f: {  	[sflag:s25] =	ssyncadd.s32 $0xFFFFD800  }
0x20: {  	_ =	swait.ge [sflag:s25], $0x50  }
0x21: {  	s26 =	simm.s32 $0x2800;
	s9 =	sadd.s32 $0x0, s23;
	[sflag:s25] =	ssyncset.done $0x0  }
0x22: {  	s16 =	smul.u32 $0x9C4, s1;
	s28 =	sadd.s32 $0x500, s9;
	[sflag:s25] =	ssyncadd.s32 $0xFFFFFFB0  }
0x23: {  	[tilespmem:s26], [sflag:$0x2] =	stream.linear.gather [hbm4b:s28+s17], $0x2800, $0x38;
	[tilespmem:$0x6900] =	vst v63  }
0x24: {  	s28 =	sadd.s32 s16, s20  }
0x25: {  	s28 =	sadd.s32 $0x14, s28  }
0x26: {  	s29 =	simm.s32 $0x5080;
	s30 =	sadd.s32 $0xFFFFFFF6, s28  }
0x27: {  	[tilespmem:s29], [sflag:$0x2] =	stream.linear.gather [hbm4b:s30+s17], $0x50, $0x38;
	[tilespmem:$0x6900] =	vst v63  }
0x28: {  	s30 =	simm.s32 $0x50  }
0x29: {  	[spmem:s19] =	stream.indirect.scatter.add.f32 [tilespmem:s17], [sflag:$0x3], $0x80, s24, s30, $0xb8;
	[tilespmem:$0x6900] =	vst v63  }
0x2a: {  	_ =	swait.ge [sflag:s21], $0x2800  }
0x2b: {  	[sflag:s21] =	ssyncset.done $0x0  }
0x2c: {  	s31 =	simm.s32 $0x2;
	[sflag:s21] =	ssyncadd.s32 $0xFFFFD800  }
0x2d: {  	_ =	swait.ge [sflag:s31], $0x2800  }
0x2e: {  	[sflag:s31] =	ssyncset.done $0x0  }
0x2f: {  	[sflag:s31] =	ssyncadd.s32 $0xFFFFD800  }
0x30: {  	_ =	swait.ge [sflag:s31], $0x50  }
0x31: {  	[sflag:s31] =	ssyncset.done $0x0  }
0x32: {  	s0 =	sadd.s32 $0xA00, s9;
	[sflag:s31] =	ssyncadd.s32 $0xFFFFFFB0  }
0x33: {  	[tilespmem:s17], [sflag:$0x1] =	stream.linear.gather [hbm4b:s0+s17], $0x2800, $0x38;
	[tilespmem:$0x6900] =	vst v63  }
0x34: {  	_ = 	snop  }
0x35: {  	[tilespmem:s24], [sflag:$0x1] =	stream.linear.gather [hbm4b:s28+s17], $0x50, $0x38;
	[tilespmem:$0x6900] =	vst v63  }
0x36: {  	_ = 	snop  }
0x37: {  	[spmem:s19] =	stream.indirect.scatter.add.f32 [tilespmem:s26], [sflag:$0x3], $0x80, s29, s30, $0xb8;
	[tilespmem:$0x6900] =	vst v63  }
0x38: {  	_ =	swait.ge [sflag:s21], $0x2800  }
0x39: {  	s10 =	sadd.s32 $0x2800, s10;
	s0 =	simm.s32 $0xA00;
	[sflag:s21] =	ssyncset.done $0x0  }
.LBB2_1:
0x3a: {  	p0 =	sne.s32 s0, $0x4CE00;
	[sflag:s21] =	ssyncadd.s32 $0xFFFFD800;
	s28 =	sadd.s32 $0x14, s28  }
0x3b: {  	s8 =	smov.u32 s0;
	s0 =	sadd.s32 $0xA00, s0  }
0x3c: {  	_ =	swait.ge [sflag:s25], $0x2800  }
0x3d: {  	[sflag:s25] =	ssyncset.done $0x0  }
0x3e: {  	[sflag:s25] =	ssyncadd.s32 $0xFFFFD800  }
0x3f: {  	_ =	swait.ge [sflag:s25], $0x50  }
0x40: {  	s8 =	sadd.s32 s8, s23;
	[sflag:s25] =	ssyncset.done $0x0  }
0x41: {  	s9 =	sadd.s32 $0x500, s8;
	[sflag:s25] =	ssyncadd.s32 $0xFFFFFFB0  }
0x42: {  	[tilespmem:s26], [sflag:$0x2] =	stream.linear.gather [hbm4b:s9+s17], $0x2800, $0x38;
	[tilespmem:$0x6900] =	vst v63  }
0x43: {  	s9 =	sadd.s32 $0xFFFFFFF6, s28  }
0x44: {  	[tilespmem:s29], [sflag:$0x2] =	stream.linear.gather [hbm4b:s9+s17], $0x50, $0x38;
	[tilespmem:$0x6900] =	vst v63  }
0x45: {  	_ = 	snop  }
0x46: {  	[spmem:s19] =	stream.indirect.scatter.add.f32 [tilespmem:s17], [sflag:$0x3], $0x80, s24, s30, $0xb8;
	[tilespmem:$0x6900] =	vst v63  }
0x47: {  	_ =	swait.ge [sflag:s21], $0x2800  }
0x48: {  	[sflag:s21] =	ssyncset.done $0x0  }
0x49: {  	[sflag:s21] =	ssyncadd.s32 $0xFFFFD800  }
0x4a: {  	_ =	swait.ge [sflag:s31], $0x2800  }
0x4b: {  	[sflag:s31] =	ssyncset.done $0x0  }
0x4c: {  	[sflag:s31] =	ssyncadd.s32 $0xFFFFD800  }
0x4d: {  	_ =	swait.ge [sflag:s31], $0x50  }
0x4e: {  	[sflag:s31] =	ssyncset.done $0x0  }
0x4f: {  	s8 =	sadd.s32 $0xA00, s8;
	[sflag:s31] =	ssyncadd.s32 $0xFFFFFFB0  }
0x50: {  	[tilespmem:s17], [sflag:$0x1] =	stream.linear.gather [hbm4b:s8+s17], $0x2800, $0x38;
	[tilespmem:$0x6900] =	vst v63  }
0x51: {  	_ = 	snop  }
0x52: {  	[tilespmem:s24], [sflag:$0x1] =	stream.linear.gather [hbm4b:s28+s17], $0x50, $0x38;
	[tilespmem:$0x6900] =	vst v63  }
.Ltmp0:
0x53: {  	_ = 	snop;
	(pc) =	sbr.rel @p0 .LBB2_1-.Ltmp0, $4  }
0x54: {  	_ = 	snop  }
0x55: {  	[spmem:s19] =	stream.indirect.scatter.add.f32 [tilespmem:s26], [sflag:$0x3], $0x80, s29, s30, $0xb8;
	[tilespmem:$0x6900] =	vst v63  }
0x56: {  	_ =	swait.ge [sflag:s21], $0x2800  }
0x57: {  	[sflag:s21] =	ssyncset.done $0x0  }
0x58: {  	[sflag:s21] =	ssyncadd.s32 $0xFFFFD800;
	s21 =	simm.s32 $0x1  }
0x59: {  	_ =	swait.ge [sflag:s21], $0x2800  }
0x5a: {  	[sflag:s21] =	ssyncset.done $0x0  }
0x5b: {  	[sflag:s21] =	ssyncadd.s32 $0xFFFFD800  }
0x5c: {  	s0 =	sadd.s32 $0x4DD0, s22;
	s22 =	simm.s32 $0x0;
	_ =	swait.ge [sflag:s21], $0x50  }
0x5d: {  	s23 =	simm.s32 $0x2800;
	s17 =	sshll.u32 s0, $0x4;
	[sflag:s21] =	ssyncset.done $0x0  }
0x5e: {  	s8 =	sadd.s32 s18, s17;
	s18 =	sshrl.u32 s0, $0x3;
	[sflag:s21] =	ssyncadd.s32 $0xFFFFFFB0  }
0x5f: {  	[tilespmem:s23], [sflag:$0x2] =	stream.linear.gather [hbm4b:s8+s22], $0x2800, $0x38;
	[tilespmem:$0x6900] =	vst v63  }
0x60: {  	s0 =	sadd.s32 s20, s18;
	s20 =	simm.s32 $0x5080  }
0x61: {  	[tilespmem:s20], [sflag:$0x2] =	stream.linear.gather [hbm4b:s0+s22], $0x50, $0x38;
	[tilespmem:$0x6900] =	vst v63  }
0x62: {  	s24 =	simm.s32 $0x50;
	s25 =	simm.s32 $0x5000;
	s26 =	simm.s32 $0x3  }
0x63: {  	[spmem:s19] =	stream.indirect.scatter.add.f32 [tilespmem:s22], [sflag:$0x3], $0x80, s25, s24, $0xb8;
	[tilespmem:$0x6900] =	vst v63  }
0x64: {  	_ =	swait.ge [sflag:s26], $0x2800  }
0x65: {  	[sflag:s26] =	ssyncset.done $0x0  }
0x66: {  	s28 =	simm.s32 $0x2;
	[sflag:s26] =	ssyncadd.s32 $0xFFFFD800  }
0x67: {  	_ =	swait.ge [sflag:s28], $0x2800  }
0x68: {  	[sflag:s28] =	ssyncset.done $0x0  }
0x69: {  	[sflag:s28] =	ssyncadd.s32 $0xFFFFD800  }
0x6a: {  	_ =	swait.ge [sflag:s28], $0x50  }
0x6b: {  	[sflag:s28] =	ssyncset.done $0x0  }
0x6c: {  	[sflag:s28] =	ssyncadd.s32 $0xFFFFFFB0  }
0x6d: {  	[spmem:s19] =	stream.indirect.scatter.add.f32 [tilespmem:s23], [sflag:$0x3], $0x80, s20, s24, $0xb8;
	[tilespmem:$0x6900] =	vst v63  }
0x6e: {  	_ =	swait.ge [sflag:s26], $0x2800  }
0x6f: {  	[sflag:s26] =	ssyncset.done $0x0  }
0x70: {  	s31 =	sadd.s32 s13, s14;
	[sflag:s26] =	ssyncadd.s32 $0xFFFFD800  }
0x71: {  	[tilespmem:s22], [sflag:$0x1] =	stream.linear.gather [hbm4b:s31+s22], $0x2800, $0x38;
	[tilespmem:$0x6900] =	vst v63  }
0x72: {  	s8 =	sadd.s32 s12, s15  }
0x73: {  	[tilespmem:s25], [sflag:$0x1] =	stream.linear.gather [hbm4b:s8+s22], $0x50, $0x38;
	[tilespmem:$0x6900] =	vst v63  }
0x74: {  	_ =	swait.ge [sflag:s21], $0x2800  }
0x75: {  	[sflag:s21] =	ssyncset.done $0x0  }
0x76: {  	[sflag:s21] =	ssyncadd.s32 $0xFFFFD800  }
0x77: {  	s19 =	sadd.s32 s14, s13;
	_ =	swait.ge [sflag:s21], $0x50  }
0x78: {  	s9 =	sadd.s32 s16, s12;
	s8 =	sadd.s32 $0x0, s19;
	[sflag:s21] =	ssyncset.done $0x0  }
0x79: {  	s29 =	sadd.s32 $0x14, s9;
	s31 =	sadd.s32 $0x500, s8;
	[sflag:s21] =	ssyncadd.s32 $0xFFFFFFB0  }
0x7a: {  	[tilespmem:s23], [sflag:$0x2] =	stream.linear.gather [hbm4b:s31+s22], $0x2800, $0x38;
	[tilespmem:$0x6900] =	vst v63  }
0x7b: {  	s9 =	sadd.s32 $0xFFFFFFF6, s29  }
0x7c: {  	[tilespmem:s20], [sflag:$0x2] =	stream.linear.gather [hbm4b:s9+s22], $0x50, $0x38;
	[tilespmem:$0x6900] =	vst v63  }
0x7d: {  	_ = 	snop  }
0x7e: {  	[spmem:s11] =	stream.indirect.scatter.add.f32 [tilespmem:s22], [sflag:$0x3], $0x80, s25, s24, $0xb8;
	[tilespmem:$0x6900] =	vst v63  }
0x7f: {  	_ =	swait.ge [sflag:s26], $0x2800  }
0x80: {  	[sflag:s26] =	ssyncset.done $0x0  }
0x81: {  	[sflag:s26] =	ssyncadd.s32 $0xFFFFD800  }
0x82: {  	_ =	swait.ge [sflag:s28], $0x2800  }
0x83: {  	[sflag:s28] =	ssyncset.done $0x0  }
0x84: {  	[sflag:s28] =	ssyncadd.s32 $0xFFFFD800  }
0x85: {  	_ =	swait.ge [sflag:s28], $0x50  }
0x86: {  	[sflag:s28] =	ssyncset.done $0x0  }
0x87: {  	s31 =	sadd.s32 $0xA00, s8;
	[sflag:s28] =	ssyncadd.s32 $0xFFFFFFB0  }
0x88: {  	[tilespmem:s22], [sflag:$0x1] =	stream.linear.gather [hbm4b:s31+s22], $0x2800, $0x38;
	[tilespmem:$0x6900] =	vst v63  }
0x89: {  	_ = 	snop  }
0x8a: {  	[tilespmem:s25], [sflag:$0x1] =	stream.linear.gather [hbm4b:s29+s22], $0x50, $0x38;
	[tilespmem:$0x6900] =	vst v63  }
0x8b: {  	_ = 	snop  }
0x8c: {  	[spmem:s11] =	stream.indirect.scatter.add.f32 [tilespmem:s23], [sflag:$0x3], $0x80, s20, s24, $0xb8;
	[tilespmem:$0x6900] =	vst v63  }
0x8d: {  	_ =	swait.ge [sflag:s26], $0x2800  }
0x8e: {  	s30 =	simm.s32 $0xA00;
	[sflag:s26] =	ssyncset.done $0x0  }
.LBB2_3:
0x8f: {  	p0 =	sne.s32 s30, $0x4CE00;
	[sflag:s26] =	ssyncadd.s32 $0xFFFFD800;
	s29 =	sadd.s32 $0x14, s29  }
0x90: {  	s0 =	smov.u32 s30;
	s30 =	sadd.s32 $0xA00, s30  }
0x91: {  	_ =	swait.ge [sflag:s21], $0x2800  }
0x92: {  	[sflag:s21] =	ssyncset.done $0x0  }
0x93: {  	[sflag:s21] =	ssyncadd.s32 $0xFFFFD800  }
0x94: {  	_ =	swait.ge [sflag:s21], $0x50  }
0x95: {  	s0 =	sadd.s32 s0, s19;
	[sflag:s21] =	ssyncset.done $0x0  }
0x96: {  	s8 =	sadd.s32 $0x500, s0;
	[sflag:s21] =	ssyncadd.s32 $0xFFFFFFB0  }
0x97: {  	[tilespmem:s23], [sflag:$0x2] =	stream.linear.gather [hbm4b:s8+s22], $0x2800, $0x38;
	[tilespmem:$0x6900] =	vst v63  }
0x98: {  	s8 =	sadd.s32 $0xFFFFFFF6, s29  }
0x99: {  	[tilespmem:s20], [sflag:$0x2] =	stream.linear.gather [hbm4b:s8+s22], $0x50, $0x38;
	[tilespmem:$0x6900] =	vst v63  }
0x9a: {  	_ = 	snop  }
0x9b: {  	[spmem:s11] =	stream.indirect.scatter.add.f32 [tilespmem:s22], [sflag:$0x3], $0x80, s25, s24, $0xb8;
	[tilespmem:$0x6900] =	vst v63  }
0x9c: {  	_ =	swait.ge [sflag:s26], $0x2800  }
0x9d: {  	[sflag:s26] =	ssyncset.done $0x0  }
0x9e: {  	[sflag:s26] =	ssyncadd.s32 $0xFFFFD800  }
0x9f: {  	_ =	swait.ge [sflag:s28], $0x2800  }
0xa0: {  	[sflag:s28] =	ssyncset.done $0x0  }
0xa1: {  	[sflag:s28] =	ssyncadd.s32 $0xFFFFD800  }
0xa2: {  	_ =	swait.ge [sflag:s28], $0x50  }
0xa3: {  	[sflag:s28] =	ssyncset.done $0x0  }
0xa4: {  	s0 =	sadd.s32 $0xA00, s0;
	[sflag:s28] =	ssyncadd.s32 $0xFFFFFFB0  }
0xa5: {  	[tilespmem:s22], [sflag:$0x1] =	stream.linear.gather [hbm4b:s0+s22], $0x2800, $0x38;
	[tilespmem:$0x6900] =	vst v63  }
0xa6: {  	_ = 	snop  }
0xa7: {  	[tilespmem:s25], [sflag:$0x1] =	stream.linear.gather [hbm4b:s29+s22], $0x50, $0x38;
	[tilespmem:$0x6900] =	vst v63  }
.Ltmp1:
0xa8: {  	_ = 	snop;
	(pc) =	sbr.rel @p0 .LBB2_3-.Ltmp1, $4  }
0xa9: {  	_ = 	snop  }
0xaa: {  	[spmem:s11] =	stream.indirect.scatter.add.f32 [tilespmem:s23], [sflag:$0x3], $0x80, s20, s24, $0xb8;
	[tilespmem:$0x6900] =	vst v63  }
0xab: {  	_ =	swait.ge [sflag:s26], $0x2800  }
0xac: {  	[sflag:s26] =	ssyncset.done $0x0  }
0xad: {  	[sflag:s26] =	ssyncadd.s32 $0xFFFFD800;
	s19 =	simm.s32 $0x1  }
0xae: {  	_ =	swait.ge [sflag:s19], $0x2800  }
0xaf: {  	[sflag:s19] =	ssyncset.done $0x0  }
0xb0: {  	[sflag:s19] =	ssyncadd.s32 $0xFFFFD800  }
0xb1: {  	_ =	swait.ge [sflag:s19], $0x50  }
0xb2: {  	s0 =	sadd.s32 s13, s17;
	[sflag:s19] =	ssyncset.done $0x0  }
0xb3: {  	s13 =	simm.s32 $0x0;
	s20 =	simm.s32 $0x2800;
	[sflag:s19] =	ssyncadd.s32 $0xFFFFFFB0  }
0xb4: {  	[tilespmem:s20], [sflag:$0x2] =	stream.linear.gather [hbm4b:s0+s13], $0x2800, $0x38;
	[tilespmem:$0x6900] =	vst v63  }
0xb5: {  	s24 =	sadd.s32 s12, s18;
	s12 =	simm.s32 $0x5080  }
0xb6: {  	[tilespmem:s12], [sflag:$0x2] =	stream.linear.gather [hbm4b:s24+s13], $0x50, $0x38;
	[tilespmem:$0x6900] =	vst v63  }
0xb7: {  	s21 =	simm.s32 $0x50;
	s22 =	simm.s32 $0x5000;
	s23 =	simm.s32 $0x3  }
0xb8: {  	[spmem:s11] =	stream.indirect.scatter.add.f32 [tilespmem:s13], [sflag:$0x3], $0x80, s22, s21, $0xb8;
	[tilespmem:$0x6900] =	vst v63  }
0xb9: {  	_ =	swait.ge [sflag:s23], $0x2800  }
0xba: {  	[sflag:s23] =	ssyncset.done $0x0  }
0xbb: {  	s24 =	simm.s32 $0x2;
	[sflag:s23] =	ssyncadd.s32 $0xFFFFD800  }
0xbc: {  	_ =	swait.ge [sflag:s24], $0x2800  }
0xbd: {  	[sflag:s24] =	ssyncset.done $0x0  }
0xbe: {  	[sflag:s24] =	ssyncadd.s32 $0xFFFFD800  }
0xbf: {  	_ =	swait.ge [sflag:s24], $0x50  }
0xc0: {  	[sflag:s24] =	ssyncset.done $0x0  }
0xc1: {  	[sflag:s24] =	ssyncadd.s32 $0xFFFFFFB0  }
0xc2: {  	[spmem:s11] =	stream.indirect.scatter.add.f32 [tilespmem:s20], [sflag:$0x3], $0x80, s12, s21, $0xb8;
	[tilespmem:$0x6900] =	vst v63  }
0xc3: {  	_ =	swait.ge [sflag:s23], $0x2800  }
0xc4: {  	[sflag:s23] =	ssyncset.done $0x0  }
0xc5: {  	[sflag:s23] =	ssyncadd.s32 $0xFFFFD800  }
0xc6: {  	s9 =	rddreg [dreg:$0x2]  }
0xc7: {  	s25 =	sadd.s32 s9, s14  }
0xc8: {  	[tilespmem:s13], [sflag:$0x1] =	stream.linear.gather [hbm4b:s25+s13], $0x2800, $0x38;
	[tilespmem:$0x6900] =	vst v63  }
0xc9: {  	s25 =	rddreg [dreg:$0x5]  }
0xca: {  	s26 =	sadd.s32 s25, s15  }
0xcb: {  	[tilespmem:s22], [sflag:$0x1] =	stream.linear.gather [hbm4b:s26+s13], $0x50, $0x38;
	[tilespmem:$0x6900] =	vst v63  }
0xcc: {  	_ =	swait.ge [sflag:s19], $0x2800  }
0xcd: {  	[sflag:s19] =	ssyncset.done $0x0  }
0xce: {  	[sflag:s19] =	ssyncadd.s32 $0xFFFFD800  }
0xcf: {  	s11 =	sadd.s32 s14, s9;
	_ =	swait.ge [sflag:s19], $0x50  }
0xd0: {  	s8 =	sadd.s32 $0x0, s11;
	s28 =	sadd.s32 s16, s25;
	[sflag:s19] =	ssyncset.done $0x0  }
0xd1: {  	s29 =	sadd.s32 $0x500, s8;
	s14 =	sadd.s32 $0x14, s28;
	[sflag:s19] =	ssyncadd.s32 $0xFFFFFFB0  }
0xd2: {  	[tilespmem:s20], [sflag:$0x2] =	stream.linear.gather [hbm4b:s29+s13], $0x2800, $0x38;
	[tilespmem:$0x6900] =	vst v63  }
0xd3: {  	s30 =	sadd.s32 $0xFFFFFFF6, s14  }
0xd4: {  	[tilespmem:s12], [sflag:$0x2] =	stream.linear.gather [hbm4b:s30+s13], $0x50, $0x38;
	[tilespmem:$0x6900] =	vst v63  }
0xd5: {  	_ = 	snop  }
0xd6: {  	[spmem:s3] =	stream.indirect.scatter.add.f32 [tilespmem:s13], [sflag:$0x3], $0x80, s22, s21, $0xb8;
	[tilespmem:$0x6900] =	vst v63  }
0xd7: {  	_ =	swait.ge [sflag:s23], $0x2800  }
0xd8: {  	[sflag:s23] =	ssyncset.done $0x0  }
0xd9: {  	[sflag:s23] =	ssyncadd.s32 $0xFFFFD800  }
0xda: {  	_ =	swait.ge [sflag:s24], $0x2800  }
0xdb: {  	[sflag:s24] =	ssyncset.done $0x0  }
0xdc: {  	[sflag:s24] =	ssyncadd.s32 $0xFFFFD800  }
0xdd: {  	_ =	swait.ge [sflag:s24], $0x50  }
0xde: {  	[sflag:s24] =	ssyncset.done $0x0  }
0xdf: {  	s31 =	sadd.s32 $0xA00, s8;
	[sflag:s24] =	ssyncadd.s32 $0xFFFFFFB0  }
0xe0: {  	[tilespmem:s13], [sflag:$0x1] =	stream.linear.gather [hbm4b:s31+s13], $0x2800, $0x38;
	[tilespmem:$0x6900] =	vst v63  }
0xe1: {  	_ = 	snop  }
0xe2: {  	[tilespmem:s22], [sflag:$0x1] =	stream.linear.gather [hbm4b:s14+s13], $0x50, $0x38;
	[tilespmem:$0x6900] =	vst v63  }
0xe3: {  	_ = 	snop  }
0xe4: {  	[spmem:s3] =	stream.indirect.scatter.add.f32 [tilespmem:s20], [sflag:$0x3], $0x80, s12, s21, $0xb8;
	[tilespmem:$0x6900] =	vst v63  }
0xe5: {  	_ =	swait.ge [sflag:s23], $0x2800  }
0xe6: {  	s15 =	simm.s32 $0xA00;
	[sflag:s23] =	ssyncset.done $0x0  }
.LBB2_5:
0xe7: {  	p0 =	sne.s32 s15, $0x4CE00;
	[sflag:s23] =	ssyncadd.s32 $0xFFFFD800;
	s14 =	sadd.s32 $0x14, s14  }
0xe8: {  	s0 =	smov.u32 s15;
	s15 =	sadd.s32 $0xA00, s15  }
0xe9: {  	_ =	swait.ge [sflag:s19], $0x2800  }
0xea: {  	[sflag:s19] =	ssyncset.done $0x0  }
0xeb: {  	[sflag:s19] =	ssyncadd.s32 $0xFFFFD800  }
0xec: {  	_ =	swait.ge [sflag:s19], $0x50  }
0xed: {  	s0 =	sadd.s32 s0, s11;
	[sflag:s19] =	ssyncset.done $0x0  }
0xee: {  	s8 =	sadd.s32 $0x500, s0;
	[sflag:s19] =	ssyncadd.s32 $0xFFFFFFB0  }
0xef: {  	[tilespmem:s20], [sflag:$0x2] =	stream.linear.gather [hbm4b:s8+s13], $0x2800, $0x38;
	[tilespmem:$0x6900] =	vst v63  }
0xf0: {  	s8 =	sadd.s32 $0xFFFFFFF6, s14  }
0xf1: {  	[tilespmem:s12], [sflag:$0x2] =	stream.linear.gather [hbm4b:s8+s13], $0x50, $0x38;
	[tilespmem:$0x6900] =	vst v63  }
0xf2: {  	_ = 	snop  }
0xf3: {  	[spmem:s3] =	stream.indirect.scatter.add.f32 [tilespmem:s13], [sflag:$0x3], $0x80, s22, s21, $0xb8;
	[tilespmem:$0x6900] =	vst v63  }
0xf4: {  	_ =	swait.ge [sflag:s23], $0x2800  }
0xf5: {  	[sflag:s23] =	ssyncset.done $0x0  }
0xf6: {  	[sflag:s23] =	ssyncadd.s32 $0xFFFFD800  }
0xf7: {  	_ =	swait.ge [sflag:s24], $0x2800  }
0xf8: {  	[sflag:s24] =	ssyncset.done $0x0  }
0xf9: {  	[sflag:s24] =	ssyncadd.s32 $0xFFFFD800  }
0xfa: {  	_ =	swait.ge [sflag:s24], $0x50  }
0xfb: {  	[sflag:s24] =	ssyncset.done $0x0  }
0xfc: {  	s0 =	sadd.s32 $0xA00, s0;
	[sflag:s24] =	ssyncadd.s32 $0xFFFFFFB0  }
0xfd: {  	[tilespmem:s13], [sflag:$0x1] =	stream.linear.gather [hbm4b:s0+s13], $0x2800, $0x38;
	[tilespmem:$0x6900] =	vst v63  }
0xfe: {  	_ = 	snop  }
0xff: {  	[tilespmem:s22], [sflag:$0x1] =	stream.linear.gather [hbm4b:s14+s13], $0x50, $0x38;
	[tilespmem:$0x6900] =	vst v63  }
.Ltmp2:
0x100: {  	_ = 	snop;
	(pc) =	sbr.rel @p0 .LBB2_5-.Ltmp2, $4  }
0x101: {  	_ = 	snop  }
0x102: {  	[spmem:s3] =	stream.indirect.scatter.add.f32 [tilespmem:s20], [sflag:$0x3], $0x80, s12, s21, $0xb8;
	[tilespmem:$0x6900] =	vst v63  }
0x103: {  	_ =	swait.ge [sflag:s23], $0x2800  }
0x104: {  	[sflag:s23] =	ssyncset.done $0x0  }
0x105: {  	[sflag:s23] =	ssyncadd.s32 $0xFFFFD800;
	s0 =	simm.s32 $0x1  }
0x106: {  	_ =	swait.ge [sflag:s0], $0x2800  }
0x107: {  	[sflag:s0] =	ssyncset.done $0x0  }
0x108: {  	[sflag:s0] =	ssyncadd.s32 $0xFFFFD800  }
0x109: {  	_ =	swait.ge [sflag:s0], $0x50  }
0x10a: {  	s23 =	sadd.s32 s9, s17;
	[sflag:s0] =	ssyncset.done $0x0  }
0x10b: {  	s8 =	simm.s32 $0x0;
	s24 =	simm.s32 $0x2800;
	[sflag:s0] =	ssyncadd.s32 $0xFFFFFFB0  }
0x10c: {  	[tilespmem:s24], [sflag:$0x2] =	stream.linear.gather [hbm4b:s23+s8], $0x2800, $0x38;
	[tilespmem:$0x6900] =	vst v63  }
0x10d: {  	s25 =	sadd.s32 s25, s18;
	s11 =	simm.s32 $0x5080  }
0x10e: {  	[tilespmem:s11], [sflag:$0x2] =	stream.linear.gather [hbm4b:s25+s8], $0x50, $0x38;
	[tilespmem:$0x6900] =	vst v63  }
0x10f: {  	s26 =	simm.s32 $0x50;
	s12 =	simm.s32 $0x5000;
	s28 =	simm.s32 $0x3  }
0x110: {  	[spmem:s3] =	stream.indirect.scatter.add.f32 [tilespmem:s8], [sflag:$0x3], $0x80, s12, s26, $0xb8;
	[tilespmem:$0x6900] =	vst v63  }
0x111: {  	_ =	swait.ge [sflag:s28], $0x2800  }
0x112: {  	[sflag:s28] =	ssyncset.done $0x0  }
0x113: {  	s29 =	simm.s32 $0x2;
	[sflag:s28] =	ssyncadd.s32 $0xFFFFD800  }
0x114: {  	_ =	swait.ge [sflag:s29], $0x2800  }
0x115: {  	[sflag:s29] =	ssyncset.done $0x0  }
0x116: {  	[sflag:s29] =	ssyncadd.s32 $0xFFFFD800  }
0x117: {  	_ =	swait.ge [sflag:s29], $0x50  }
0x118: {  	[sflag:s29] =	ssyncset.done $0x0  }
0x119: {  	[sflag:s29] =	ssyncadd.s32 $0xFFFFFFB0  }
0x11a: {  	[spmem:s3] =	stream.indirect.scatter.add.f32 [tilespmem:s24], [sflag:$0x3], $0x80, s11, s26, $0xb8;
	[tilespmem:$0x6900] =	vst v63  }
0x11b: {  	_ =	swait.ge [sflag:s28], $0x2800  }
0x11c: {  	[sflag:s28] =	ssyncset.done $0x0  }
0x11d: {  	[sflag:s28] =	ssyncadd.s32 $0xFFFFD800  }
0x11e: {  	s30 =	sadd.s32 s10, s4;
	[bflag:$0x0] =	sbarrier.arrive $0xFFFF  }
0x11f: {  	[hbm:s30], [sflag:s2] =	dma.local [spmem:s5], $0x100  }
0x120: {  	_ =	swait.ge [sflag:s28], $0x100  }
0x121: {  	[sflag:s28] =	ssyncset.done $0x0  }
0x122: {  	s31 =	sadd.s32 $0x1000, s30;
	[sflag:s28] =	ssyncadd.s32 $0xFFFFFF00  }
0x123: {  	[hbm:s31], [sflag:s2] =	dma.local [spmem:s6], $0x100  }
0x124: {  	_ =	swait.ge [sflag:s28], $0x100  }
0x125: {  	[sflag:s28] =	ssyncset.done $0x0  }
0x126: {  	s0 =	sadd.s32 $0x2000, s30;
	[sflag:s28] =	ssyncadd.s32 $0xFFFFFF00  }
0x127: {  	[hbm:s0], [sflag:s2] =	dma.local [spmem:s7], $0x100  }
0x128: {  	_ =	swait.ge [sflag:s28], $0x100  }
0x129: {  	[sflag:s28] =	ssyncset.done $0x0  }
0x12a: {  	[sflag:s28] =	ssyncadd.s32 $0xFFFFFF00  }
0x12b: {  	_ =	sfence.sel $0x180000  }
0x12c: {  	[bflag:$0x0] =	sbarrier.arrive $0xFFFF  }
0x12d: {  	_ =	strace $0x90000047  }
0x12e: {  	[bflag:$0x2] =	sbarrier.arrive $0xFFFF  }
0x12f: {  	p0 =	sne.s32 s1, $0x0;
	s0 =	rddreg [dreg:$0xa]  }
0x130: {  	s0 =	sadd.s32 @!p0 $0x100000, s0  }
0x131: {  	[sflag:s0] =	ssyncadd.tile.s32 @!p0 $0x1;
	_ =	shalt  }
.Lfunc_end2:
_tile_overlayer_lowered:
.L_overlay_start_2:
0x132: {  	(tag) =	ssettag $0x2  }
0x133: {  	s0 =	rddreg [dreg:$0x0];
	s2 =	stileid.u32  }
0x134: {  	s1 =	rddreg [dreg:$0x1];
	p0 =	sne.s32 s2, $0x0  }
0x135: {  	s3 =	rddreg [dreg:$0x2];
	[bflag:$0x3] =	sbarrier.arrive $0xFFFF;
	s2 =	simm.s32 @!p0 $0x1C03  }
0x136: {  	[timem:s3], [sflag:s2] =	dma.local @!p0 [hbm:s0], s1  }
0x137: {  	s0 =	simm.s32 @!p0 $0x3  }
0x138: {  	_ =	swait.ge @!p0 [sflag:s0], s1  }
0x139: {  	s1 =	ssub.s32 @!p0 $0x0, s1;
	[sflag:s0] =	ssyncset.done @!p0 $0x0  }
0x13a: {  	[sflag:s0] =	ssyncadd.s32 @!p0 s1  }
0x13b: {  	[bflag:$0x3] =	sbarrier.arrive $0xFFFF  }
0x13c: {  	_ =	shalt  }

</sc_bundles>
